<compile_context>
chip_gen: v7x
topology: tpu7x:2x2x1
jax: 0.10.2.dev20260603
libtpu: 0.0.44.dev20260713+nightly
codegen_flags: <defaults>
</compile_context>

<pallas_src>
import functools
import jax
import jax.numpy as jnp
import numpy as np
from jax import lax
from jax.experimental import pallas as pl
from jax.experimental.pallas import tpu as pltpu
from jax.experimental.pallas import tpu_sc as plsc

_B, _W, _D, _E = 256, 25, 25, 128
_WD = _W * _D
_WDP = 640
_NC, _NS = 2, 16
_NW = _NC * _NS
_BPW = _B // _NW
_R0 = 4 * 8 * 4
_R1 = 4 * 8 * 8
_NR = _R0 + _R1
_EG = 8
_NEG = _E // _EG
_NJ = _WDP // 16


def _sc_body(tab_hbm, i0, i1, i2, i3, i4, i5, out_hbm,
             tab_v, idx_v, c_v, buf_v):
    wid = lax.axis_index("s") * _NC + lax.axis_index("c")
    b0 = wid * _BPW

    pltpu.sync_copy(tab_hbm, tab_v)
    idx_hbms = (i0, i1, i2, i3, i4, i5)
    for f in range(6):
        pltpu.sync_copy(idx_hbms[f].at[pl.ds(b0, _BPW), :], idx_v.at[f])

    def c_body(b, _):
        def cj(j, _):
            sl = pl.ds(j * 16, 16)
            c_v[0, b, sl] = (idx_v[0, b, sl] * 32 + idx_v[1, b, sl] * 4
                             + idx_v[2, b, sl])
            c_v[1, b, sl] = (idx_v[3, b, sl] * 64 + idx_v[4, b, sl] * 8
                             + idx_v[5, b, sl] + _R0)
            return 0
        return lax.fori_loop(0, _NJ, cj, 0)
    lax.fori_loop(0, _BPW, c_body, 0)

    lane0 = lax.iota(jnp.int32, 16) < 1

    def b_body(b, _):
        def eg_body(eg, _):
            def j_body(j, _):
                sl = pl.ds(j * 16, 16)
                c0 = c_v[0, b, sl]
                c1 = c_v[1, b, sl]
                for el in range(_EG):
                    base = (eg * _EG + el) * _NR
                    g0 = plsc.load_gather(tab_v, [c0 + base])
                    g1 = plsc.load_gather(tab_v, [c1 + base])
                    buf_v[pl.ds(el * _WD + j * 16, 16)] = g0 + g1
                return 0
            lax.fori_loop(0, _NJ - 1, j_body, 0)
            tsl = pl.ds((_NJ - 1) * 16, 16)
            c0 = c_v[0, b, tsl]
            c1 = c_v[1, b, tsl]
            for el in range(_EG):
                base = (eg * _EG + el) * _NR
                g0 = plsc.load_gather(tab_v, [c0 + base])
                g1 = plsc.load_gather(tab_v, [c1 + base])
                plsc.store_compressed(
                    buf_v.at[pl.ds(el * _WD + (_NJ - 1) * 16, 16)],
                    g0 + g1, mask=lane0)
            pltpu.sync_copy(buf_v.at[pl.ds(0, _EG * _WD)],
                            out_hbm.at[b0 + b, eg, :])
            return 0
        return lax.fori_loop(0, _NEG, eg_body, 0)
    lax.fori_loop(0, _BPW, b_body, 0)


def kernel(card_counts, card_colors, card_shapes, card_selections,
           leader_rotations, follower_rotations,
           T_count, T_color, T_shape, T_sel, T_lead, T_foll):
    def masked(t):
        return t.at[0].set(0.0)
    mc, mcol, msh = masked(T_count), masked(T_color), masked(T_shape)
    msel, mld, mfl = masked(T_sel), masked(T_lead), masked(T_foll)
    p0 = (mc[:, None, None, :] + mcol[None, :, None, :]
          + msh[None, None, :, :]).reshape(_R0, _E)
    p1 = (msel[:, None, None, :] + mld[None, :, None, :]
          + mfl[None, None, :, :]).reshape(_R1, _E)
    tab_flat = jnp.concatenate([p0, p1], axis=0).T.reshape(_E * _NR)

    def prep(a):
        return jnp.pad(a.reshape(_B, _WD), ((0, 0), (0, _WDP - _WD)))
    idxs = [prep(a) for a in (card_counts, card_colors, card_shapes,
                              card_selections, leader_rotations,
                              follower_rotations)]

    mesh = plsc.VectorSubcoreMesh(core_axis_name="c", subcore_axis_name="s")
    sc_fn = functools.partial(
        pl.kernel,
        mesh=mesh,
        compiler_params=pltpu.CompilerParams(use_tc_tiling_on_sc=False,
                                             needs_layout_passes=False),
        out_type=jax.ShapeDtypeStruct((_B, _NEG, _EG * _WD), jnp.float32),
        scratch_types=[
            pltpu.VMEM((_E * _NR,), jnp.float32),
            pltpu.VMEM((6, _BPW, _WDP), jnp.int32),
            pltpu.VMEM((2, _BPW, _WDP), jnp.int32),
            pltpu.VMEM((_EG * _WD + 24,), jnp.float32),
        ],
    )(_sc_body)
    out = sc_fn(tab_flat, *idxs)
    return out.reshape(_B, _E, _W, _D)

# --- scband reference (transcript-rebuilt; emitter-appended) ---
"""Pipeline reference for scband-dynamic-environment-embedder-55817394979286 (READ-ONLY COPY).

The authoritative reference and input builder live on the scoring server;
editing this copy changes nothing except your own understanding.
"""

import jax, jax.numpy as jnp
import numpy as np

B = 256
W = 25
D = 25
E = 128
VOCABS = {"count": 4, "color": 8, "shape": 4, "sel": 4, "lead": 8, "foll": 8}


def _embed_bchw(idx, table):
    # idx: int [B, W, D]; table: float [V, E]
    flat = idx.reshape(idx.shape[0], -1)  # [B, W*D]
    e = jnp.take(table, flat, axis=0)     # [B, W*D, E]
    # zero_out=True: embeddings of index 0 (absence of property) are zeroed
    mask = (flat != 0).astype(e.dtype)[..., None]
    e = e * mask
    e = e.reshape(idx.shape[0], W, D, E)  # BHWC
    return jnp.transpose(e, (0, 3, 1, 2))  # BCHW


def setup_inputs(seed: int = 0) -> dict:
    key = jax.random.key(seed)
    ks = jax.random.split(key, 12)
    inp = {}
    inp["card_counts"] = jax.random.randint(ks[0], (B, W, D), 0, VOCABS["count"], dtype=jnp.int64 if jax.config.jax_enable_x64 else jnp.int32).astype(jnp.int32)
    inp["card_colors"] = jax.random.randint(ks[1], (B, W, D), 0, VOCABS["color"]).astype(jnp.int32)
    inp["card_shapes"] = jax.random.randint(ks[2], (B, W, D), 0, VOCABS["shape"]).astype(jnp.int32)
    inp["card_selections"] = jax.random.randint(ks[3], (B, W, D), 0, VOCABS["sel"]).astype(jnp.int32)
    inp["leader_rotations"] = jax.random.randint(ks[4], (B, W, D), 0, VOCABS["lead"]).astype(jnp.int32)
    inp["follower_rotations"] = jax.random.randint(ks[5], (B, W, D), 0, VOCABS["foll"]).astype(jnp.int32)
    inp["T_count"] = jax.random.normal(ks[6], (VOCABS["count"], E), dtype=jnp.float32) * 0.02
    inp["T_color"] = jax.random.normal(ks[7], (VOCABS["color"], E), dtype=jnp.float32) * 0.02
    inp["T_shape"] = jax.random.normal(ks[8], (VOCABS["shape"], E), dtype=jnp.float32) * 0.02
    inp["T_sel"] = jax.random.normal(ks[9], (VOCABS["sel"], E), dtype=jnp.float32) * 0.02
    inp["T_lead"] = jax.random.normal(ks[10], (VOCABS["lead"], E), dtype=jnp.float32) * 0.02
    inp["T_foll"] = jax.random.normal(ks[11], (VOCABS["foll"], E), dtype=jnp.float32) * 0.02
    return inp


def reference(card_counts, card_colors, card_shapes, card_selections, leader_rotations, follower_rotations, T_count, T_color, T_shape, T_sel, T_lead, T_foll):
    e0 = _embed_bchw(card_counts, T_count)
    e1 = _embed_bchw(card_colors, T_color)
    e2 = _embed_bchw(card_shapes, T_shape)
    e3 = _embed_bchw(card_selections, T_sel)
    e4 = _embed_bchw(leader_rotations, T_lead)
    e5 = _embed_bchw(follower_rotations, T_foll)
    stacked = jnp.stack((e0, e1, e2, e3, e4, e5))          # [6, B, E, W, D]
    permuted = jnp.transpose(stacked, (1, 0, 2, 3, 4))      # [B, 6, E, W, D]
    emb_state = jnp.sum(permuted, axis=1)                   # [B, E, W, D]
    return emb_state

if __name__ == "__main__":
    import jax
    _d = setup_inputs()
    print(jax.jit(kernel)(*tuple(_d.values())))

</pallas_src>

<mosaic_0001>
#map = affine_map<(d0, d1) -> (0)>
#map1 = affine_map<(d0, d1) -> (0, 0)>
#map2 = affine_map<(d0, d1) -> (0, 0, 0)>
module attributes {stable_mosaic.version = 14 : i64} {
  func.func @_sc_body(%arg0: i32, %arg1: i32, %arg2: memref<49152xf32, #tpu.memory_space<hbm>>, %arg3: memref<256x640xi32, #tpu.memory_space<hbm>>, %arg4: memref<256x640xi32, #tpu.memory_space<hbm>>, %arg5: memref<256x640xi32, #tpu.memory_space<hbm>>, %arg6: memref<256x640xi32, #tpu.memory_space<hbm>>, %arg7: memref<256x640xi32, #tpu.memory_space<hbm>>, %arg8: memref<256x640xi32, #tpu.memory_space<hbm>>, %arg9: memref<256x16x5000xf32, #tpu.memory_space<hbm>>, %arg10: memref<49152xf32, #tpu.memory_space<vmem>>, %arg11: memref<6x8x640xi32, #tpu.memory_space<vmem>>, %arg12: memref<2x8x640xi32, #tpu.memory_space<vmem>>, %arg13: memref<5024xf32, #tpu.memory_space<vmem>>) attributes {dimension_semantics = [#tpu.dimension_semantics<core_parallel>, #tpu.dimension_semantics<subcore_parallel>], iteration_bounds = array<i64: 2, 16>, scalar_prefetch = 0 : i64, scratch_operands = 4 : i64, tpu.core_type = #tpu.core_type<sc_vector_subcore>, window_params = [{transform_indices = #map}, {transform_indices = #map1}, {transform_indices = #map1}, {transform_indices = #map1}, {transform_indices = #map1}, {transform_indices = #map1}, {transform_indices = #map1}, {transform_indices = #map2}]} {
    %mul3A = arith.constant 2 : i32
    %mul3A_0 = arith.muli %arg1, %mul3A : i32
    %add3A = arith.addi %mul3A_0, %arg0 : i32
    %mul3A_1 = arith.constant 8 : i32
    %mul3A_2 = arith.muli %add3A, %mul3A_1 : i32
    "tpu.region"() ({
      %run_scoped3A_23 = tpu.sem_alloc : memref<!tpu.dma_semaphore, #tpu.memory_space<semaphore_mem>>
      tpu.enqueue_dma source(%arg2 : memref<49152xf32, #tpu.memory_space<hbm>>) target(%arg10 : memref<49152xf32, #tpu.memory_space<vmem>>) target_semaphore(%run_scoped3A_23 : memref<!tpu.dma_semaphore, #tpu.memory_space<semaphore_mem>>)
      tpu.wait_dma2 semaphore(%run_scoped3A_23 : memref<!tpu.dma_semaphore, #tpu.memory_space<semaphore_mem>>) src(%arg2 : memref<49152xf32, #tpu.memory_space<hbm>>) dst(%arg10 : memref<49152xf32, #tpu.memory_space<vmem>>)
      tpu.yield
    }) : () -> ()
    %run_scoped3A = arith.constant 0 : i32
    "tpu.region"() ({
      %run_scoped3A_23 = tpu.sem_alloc : memref<!tpu.dma_semaphore, #tpu.memory_space<semaphore_mem>>
      %dma_start3A = arith.constant 0 : i32
      %dma_start3A_24 = arith.constant 0 : i32
      %dma_start3A_25 = tpu.memref_slice %arg11[%run_scoped3A, %dma_start3A, %dma_start3A_24] : memref<6x8x640xi32, #tpu.memory_space<vmem>> -> memref<1x8x640xi32, #tpu.memory_space<vmem>>
      %dma_start3A_26 = tpu.memref_squeeze %dma_start3A_25 : memref<1x8x640xi32, #tpu.memory_space<vmem>> -> memref<8x640xi32, #tpu.memory_space<vmem>>
      %dma_start3A_27 = arith.constant 0 : i32
      %dma_start3A_28 = tpu.memref_slice %arg3[%mul3A_2, %dma_start3A_27] : memref<256x640xi32, #tpu.memory_space<hbm>> -> memref<8x640xi32, #tpu.memory_space<hbm>>
      %dma_start3A_29 = arith.constant 0 : i32
      %dma_start3A_30 = arith.constant 0 : i32
      %dma_start3A_31 = tpu.memref_slice %arg11[%run_scoped3A, %dma_start3A_29, %dma_start3A_30] : memref<6x8x640xi32, #tpu.memory_space<vmem>> -> memref<1x8x640xi32, #tpu.memory_space<vmem>>
      %dma_start3A_32 = tpu.memref_squeeze %dma_start3A_31 : memref<1x8x640xi32, #tpu.memory_space<vmem>> -> memref<8x640xi32, #tpu.memory_space<vmem>>
      %dma_start3A_33 = arith.constant 0 : i32
      %dma_start3A_34 = tpu.memref_slice %arg3[%mul3A_2, %dma_start3A_33] : memref<256x640xi32, #tpu.memory_space<hbm>> -> memref<8x640xi32, #tpu.memory_space<hbm>>
      tpu.enqueue_dma source(%dma_start3A_34 : memref<8x640xi32, #tpu.memory_space<hbm>>) target(%dma_start3A_32 : memref<8x640xi32, #tpu.memory_space<vmem>>) target_semaphore(%run_scoped3A_23 : memref<!tpu.dma_semaphore, #tpu.memory_space<semaphore_mem>>)
      %dma_wait3A = arith.constant 0 : i32
      %dma_wait3A_35 = arith.constant 0 : i32
      %dma_wait3A_36 = tpu.memref_slice %arg11[%run_scoped3A, %dma_wait3A, %dma_wait3A_35] : memref<6x8x640xi32, #tpu.memory_space<vmem>> -> memref<1x8x640xi32, #tpu.memory_space<vmem>>
      %dma_wait3A_37 = tpu.memref_squeeze %dma_wait3A_36 : memref<1x8x640xi32, #tpu.memory_space<vmem>> -> memref<8x640xi32, #tpu.memory_space<vmem>>
      %dma_wait3A_38 = arith.constant 0 : i32
      %dma_wait3A_39 = tpu.memref_slice %arg3[%mul3A_2, %dma_wait3A_38] : memref<256x640xi32, #tpu.memory_space<hbm>> -> memref<8x640xi32, #tpu.memory_space<hbm>>
      %dma_wait3A_40 = arith.constant 0 : i32
      %dma_wait3A_41 = arith.constant 0 : i32
      %dma_wait3A_42 = tpu.memref_slice %arg11[%run_scoped3A, %dma_wait3A_40, %dma_wait3A_41] : memref<6x8x640xi32, #tpu.memory_space<vmem>> -> memref<1x8x640xi32, #tpu.memory_space<vmem>>
      %dma_wait3A_43 = tpu.memref_squeeze %dma_wait3A_42 : memref<1x8x640xi32, #tpu.memory_space<vmem>> -> memref<8x640xi32, #tpu.memory_space<vmem>>
      %dma_wait3A_44 = arith.constant 0 : i32
      %dma_wait3A_45 = tpu.memref_slice %arg3[%mul3A_2, %dma_wait3A_44] : memref<256x640xi32, #tpu.memory_space<hbm>> -> memref<8x640xi32, #tpu.memory_space<hbm>>
      tpu.wait_dma2 semaphore(%run_scoped3A_23 : memref<!tpu.dma_semaphore, #tpu.memory_space<semaphore_mem>>) src(%dma_wait3A_45 : memref<8x640xi32, #tpu.memory_space<hbm>>) dst(%dma_wait3A_43 : memref<8x640xi32, #tpu.memory_space<vmem>>)
      tpu.yield
    }) : () -> ()
    %run_scoped3A_3 = arith.constant 1 : i32
    "tpu.region"() ({
      %run_scoped3A_23 = tpu.sem_alloc : memref<!tpu.dma_semaphore, #tpu.memory_space<semaphore_mem>>
      %dma_start3A = arith.constant 0 : i32
      %dma_start3A_24 = arith.constant 0 : i32
      %dma_start3A_25 = tpu.memref_slice %arg11[%run_scoped3A_3, %dma_start3A, %dma_start3A_24] : memref<6x8x640xi32, #tpu.memory_space<vmem>> -> memref<1x8x640xi32, #tpu.memory_space<vmem>>
      %dma_start3A_26 = tpu.memref_squeeze %dma_start3A_25 : memref<1x8x640xi32, #tpu.memory_space<vmem>> -> memref<8x640xi32, #tpu.memory_space<vmem>>
      %dma_start3A_27 = arith.constant 0 : i32
      %dma_start3A_28 = tpu.memref_slice %arg4[%mul3A_2, %dma_start3A_27] : memref<256x640xi32, #tpu.memory_space<hbm>> -> memref<8x640xi32, #tpu.memory_space<hbm>>
      %dma_start3A_29 = arith.constant 0 : i32
      %dma_start3A_30 = arith.constant 0 : i32
      %dma_start3A_31 = tpu.memref_slice %arg11[%run_scoped3A_3, %dma_start3A_29, %dma_start3A_30] : memref<6x8x640xi32, #tpu.memory_space<vmem>> -> memref<1x8x640xi32, #tpu.memory_space<vmem>>
      %dma_start3A_32 = tpu.memref_squeeze %dma_start3A_31 : memref<1x8x640xi32, #tpu.memory_space<vmem>> -> memref<8x640xi32, #tpu.memory_space<vmem>>
      %dma_start3A_33 = arith.constant 0 : i32
      %dma_start3A_34 = tpu.memref_slice %arg4[%mul3A_2, %dma_start3A_33] : memref<256x640xi32, #tpu.memory_space<hbm>> -> memref<8x640xi32, #tpu.memory_space<hbm>>
      tpu.enqueue_dma source(%dma_start3A_34 : memref<8x640xi32, #tpu.memory_space<hbm>>) target(%dma_start3A_32 : memref<8x640xi32, #tpu.memory_space<vmem>>) target_semaphore(%run_scoped3A_23 : memref<!tpu.dma_semaphore, #tpu.memory_space<semaphore_mem>>)
      %dma_wait3A = arith.constant 0 : i32
      %dma_wait3A_35 = arith.constant 0 : i32
      %dma_wait3A_36 = tpu.memref_slice %arg11[%run_scoped3A_3, %dma_wait3A, %dma_wait3A_35] : memref<6x8x640xi32, #tpu.memory_space<vmem>> -> memref<1x8x640xi32, #tpu.memory_space<vmem>>
      %dma_wait3A_37 = tpu.memref_squeeze %dma_wait3A_36 : memref<1x8x640xi32, #tpu.memory_space<vmem>> -> memref<8x640xi32, #tpu.memory_space<vmem>>
      %dma_wait3A_38 = arith.constant 0 : i32
      %dma_wait3A_39 = tpu.memref_slice %arg4[%mul3A_2, %dma_wait3A_38] : memref<256x640xi32, #tpu.memory_space<hbm>> -> memref<8x640xi32, #tpu.memory_space<hbm>>
      %dma_wait3A_40 = arith.constant 0 : i32
      %dma_wait3A_41 = arith.constant 0 : i32
      %dma_wait3A_42 = tpu.memref_slice %arg11[%run_scoped3A_3, %dma_wait3A_40, %dma_wait3A_41] : memref<6x8x640xi32, #tpu.memory_space<vmem>> -> memref<1x8x640xi32, #tpu.memory_space<vmem>>
      %dma_wait3A_43 = tpu.memref_squeeze %dma_wait3A_42 : memref<1x8x640xi32, #tpu.memory_space<vmem>> -> memref<8x640xi32, #tpu.memory_space<vmem>>
      %dma_wait3A_44 = arith.constant 0 : i32
      %dma_wait3A_45 = tpu.memref_slice %arg4[%mul3A_2, %dma_wait3A_44] : memref<256x640xi32, #tpu.memory_space<hbm>> -> memref<8x640xi32, #tpu.memory_space<hbm>>
      tpu.wait_dma2 semaphore(%run_scoped3A_23 : memref<!tpu.dma_semaphore, #tpu.memory_space<semaphore_mem>>) src(%dma_wait3A_45 : memref<8x640xi32, #tpu.memory_space<hbm>>) dst(%dma_wait3A_43 : memref<8x640xi32, #tpu.memory_space<vmem>>)
      tpu.yield
    }) : () -> ()
    %run_scoped3A_4 = arith.constant 2 : i32
    "tpu.region"() ({
      %run_scoped3A_23 = tpu.sem_alloc : memref<!tpu.dma_semaphore, #tpu.memory_space<semaphore_mem>>
      %dma_start3A = arith.constant 0 : i32
      %dma_start3A_24 = arith.constant 0 : i32
      %dma_start3A_25 = tpu.memref_slice %arg11[%run_scoped3A_4, %dma_start3A, %dma_start3A_24] : memref<6x8x640xi32, #tpu.memory_space<vmem>> -> memref<1x8x640xi32, #tpu.memory_space<vmem>>
      %dma_start3A_26 = tpu.memref_squeeze %dma_start3A_25 : memref<1x8x640xi32, #tpu.memory_space<vmem>> -> memref<8x640xi32, #tpu.memory_space<vmem>>
      %dma_start3A_27 = arith.constant 0 : i32
      %dma_start3A_28 = tpu.memref_slice %arg5[%mul3A_2, %dma_start3A_27] : memref<256x640xi32, #tpu.memory_space<hbm>> -> memref<8x640xi32, #tpu.memory_space<hbm>>
      %dma_start3A_29 = arith.constant 0 : i32
      %dma_start3A_30 = arith.constant 0 : i32
      %dma_start3A_31 = tpu.memref_slice %arg11[%run_scoped3A_4, %dma_start3A_29, %dma_start3A_30] : memref<6x8x640xi32, #tpu.memory_space<vmem>> -> memref<1x8x640xi32, #tpu.memory_space<vmem>>
      %dma_start3A_32 = tpu.memref_squeeze %dma_start3A_31 : memref<1x8x640xi32, #tpu.memory_space<vmem>> -> memref<8x640xi32, #tpu.memory_space<vmem>>
      %dma_start3A_33 = arith.constant 0 : i32
      %dma_start3A_34 = tpu.memref_slice %arg5[%mul3A_2, %dma_start3A_33] : memref<256x640xi32, #tpu.memory_space<hbm>> -> memref<8x640xi32, #tpu.memory_space<hbm>>
      tpu.enqueue_dma source(%dma_start3A_34 : memref<8x640xi32, #tpu.memory_space<hbm>>) target(%dma_start3A_32 : memref<8x640xi32, #tpu.memory_space<vmem>>) target_semaphore(%run_scoped3A_23 : memref<!tpu.dma_semaphore, #tpu.memory_space<semaphore_mem>>)
      %dma_wait3A = arith.constant 0 : i32
      %dma_wait3A_35 = arith.constant 0 : i32
      %dma_wait3A_36 = tpu.memref_slice %arg11[%run_scoped3A_4, %dma_wait3A, %dma_wait3A_35] : memref<6x8x640xi32, #tpu.memory_space<vmem>> -> memref<1x8x640xi32, #tpu.memory_space<vmem>>
      %dma_wait3A_37 = tpu.memref_squeeze %dma_wait3A_36 : memref<1x8x640xi32, #tpu.memory_space<vmem>> -> memref<8x640xi32, #tpu.memory_space<vmem>>
      %dma_wait3A_38 = arith.constant 0 : i32
      %dma_wait3A_39 = tpu.memref_slice %arg5[%mul3A_2, %dma_wait3A_38] : memref<256x640xi32, #tpu.memory_space<hbm>> -> memref<8x640xi32, #tpu.memory_space<hbm>>
      %dma_wait3A_40 = arith.constant 0 : i32
      %dma_wait3A_41 = arith.constant 0 : i32
      %dma_wait3A_42 = tpu.memref_slice %arg11[%run_scoped3A_4, %dma_wait3A_40, %dma_wait3A_41] : memref<6x8x640xi32, #tpu.memory_space<vmem>> -> memref<1x8x640xi32, #tpu.memory_space<vmem>>
      %dma_wait3A_43 = tpu.memref_squeeze %dma_wait3A_42 : memref<1x8x640xi32, #tpu.memory_space<vmem>> -> memref<8x640xi32, #tpu.memory_space<vmem>>
      %dma_wait3A_44 = arith.constant 0 : i32
      %dma_wait3A_45 = tpu.memref_slice %arg5[%mul3A_2, %dma_wait3A_44] : memref<256x640xi32, #tpu.memory_space<hbm>> -> memref<8x640xi32, #tpu.memory_space<hbm>>
      tpu.wait_dma2 semaphore(%run_scoped3A_23 : memref<!tpu.dma_semaphore, #tpu.memory_space<semaphore_mem>>) src(%dma_wait3A_45 : memref<8x640xi32, #tpu.memory_space<hbm>>) dst(%dma_wait3A_43 : memref<8x640xi32, #tpu.memory_space<vmem>>)
      tpu.yield
    }) : () -> ()
    %run_scoped3A_5 = arith.constant 3 : i32
    "tpu.region"() ({
      %run_scoped3A_23 = tpu.sem_alloc : memref<!tpu.dma_semaphore, #tpu.memory_space<semaphore_mem>>
      %dma_start3A = arith.constant 0 : i32
      %dma_start3A_24 = arith.constant 0 : i32
      %dma_start3A_25 = tpu.memref_slice %arg11[%run_scoped3A_5, %dma_start3A, %dma_start3A_24] : memref<6x8x640xi32, #tpu.memory_space<vmem>> -> memref<1x8x640xi32, #tpu.memory_space<vmem>>
      %dma_start3A_26 = tpu.memref_squeeze %dma_start3A_25 : memref<1x8x640xi32, #tpu.memory_space<vmem>> -> memref<8x640xi32, #tpu.memory_space<vmem>>
      %dma_start3A_27 = arith.constant 0 : i32
      %dma_start3A_28 = tpu.memref_slice %arg6[%mul3A_2, %dma_start3A_27] : memref<256x640xi32, #tpu.memory_space<hbm>> -> memref<8x640xi32, #tpu.memory_space<hbm>>
      %dma_start3A_29 = arith.constant 0 : i32
      %dma_start3A_30 = arith.constant 0 : i32
      %dma_start3A_31 = tpu.memref_slice %arg11[%run_scoped3A_5, %dma_start3A_29, %dma_start3A_30] : memref<6x8x640xi32, #tpu.memory_space<vmem>> -> memref<1x8x640xi32, #tpu.memory_space<vmem>>
      %dma_start3A_32 = tpu.memref_squeeze %dma_start3A_31 : memref<1x8x640xi32, #tpu.memory_space<vmem>> -> memref<8x640xi32, #tpu.memory_space<vmem>>
      %dma_start3A_33 = arith.constant 0 : i32
      %dma_start3A_34 = tpu.memref_slice %arg6[%mul3A_2, %dma_start3A_33] : memref<256x640xi32, #tpu.memory_space<hbm>> -> memref<8x640xi32, #tpu.memory_space<hbm>>
      tpu.enqueue_dma source(%dma_start3A_34 : memref<8x640xi32, #tpu.memory_space<hbm>>) target(%dma_start3A_32 : memref<8x640xi32, #tpu.memory_space<vmem>>) target_semaphore(%run_scoped3A_23 : memref<!tpu.dma_semaphore, #tpu.memory_space<semaphore_mem>>)
      %dma_wait3A = arith.constant 0 : i32
      %dma_wait3A_35 = arith.constant 0 : i32
      %dma_wait3A_36 = tpu.memref_slice %arg11[%run_scoped3A_5, %dma_wait3A, %dma_wait3A_35] : memref<6x8x640xi32, #tpu.memory_space<vmem>> -> memref<1x8x640xi32, #tpu.memory_space<vmem>>
      %dma_wait3A_37 = tpu.memref_squeeze %dma_wait3A_36 : memref<1x8x640xi32, #tpu.memory_space<vmem>> -> memref<8x640xi32, #tpu.memory_space<vmem>>
      %dma_wait3A_38 = arith.constant 0 : i32
      %dma_wait3A_39 = tpu.memref_slice %arg6[%mul3A_2, %dma_wait3A_38] : memref<256x640xi32, #tpu.memory_space<hbm>> -> memref<8x640xi32, #tpu.memory_space<hbm>>
      %dma_wait3A_40 = arith.constant 0 : i32
      %dma_wait3A_41 = arith.constant 0 : i32
      %dma_wait3A_42 = tpu.memref_slice %arg11[%run_scoped3A_5, %dma_wait3A_40, %dma_wait3A_41] : memref<6x8x640xi32, #tpu.memory_space<vmem>> -> memref<1x8x640xi32, #tpu.memory_space<vmem>>
      %dma_wait3A_43 = tpu.memref_squeeze %dma_wait3A_42 : memref<1x8x640xi32, #tpu.memory_space<vmem>> -> memref<8x640xi32, #tpu.memory_space<vmem>>
      %dma_wait3A_44 = arith.constant 0 : i32
      %dma_wait3A_45 = tpu.memref_slice %arg6[%mul3A_2, %dma_wait3A_44] : memref<256x640xi32, #tpu.memory_space<hbm>> -> memref<8x640xi32, #tpu.memory_space<hbm>>
      tpu.wait_dma2 semaphore(%run_scoped3A_23 : memref<!tpu.dma_semaphore, #tpu.memory_space<semaphore_mem>>) src(%dma_wait3A_45 : memref<8x640xi32, #tpu.memory_space<hbm>>) dst(%dma_wait3A_43 : memref<8x640xi32, #tpu.memory_space<vmem>>)
      tpu.yield
    }) : () -> ()
    %run_scoped3A_6 = arith.constant 4 : i32
    "tpu.region"() ({
      %run_scoped3A_23 = tpu.sem_alloc : memref<!tpu.dma_semaphore, #tpu.memory_space<semaphore_mem>>
      %dma_start3A = arith.constant 0 : i32
      %dma_start3A_24 = arith.constant 0 : i32
      %dma_start3A_25 = tpu.memref_slice %arg11[%run_scoped3A_6, %dma_start3A, %dma_start3A_24] : memref<6x8x640xi32, #tpu.memory_space<vmem>> -> memref<1x8x640xi32, #tpu.memory_space<vmem>>
      %dma_start3A_26 = tpu.memref_squeeze %dma_start3A_25 : memref<1x8x640xi32, #tpu.memory_space<vmem>> -> memref<8x640xi32, #tpu.memory_space<vmem>>
      %dma_start3A_27 = arith.constant 0 : i32
      %dma_start3A_28 = tpu.memref_slice %arg7[%mul3A_2, %dma_start3A_27] : memref<256x640xi32, #tpu.memory_space<hbm>> -> memref<8x640xi32, #tpu.memory_space<hbm>>
      %dma_start3A_29 = arith.constant 0 : i32
      %dma_start3A_30 = arith.constant 0 : i32
      %dma_start3A_31 = tpu.memref_slice %arg11[%run_scoped3A_6, %dma_start3A_29, %dma_start3A_30] : memref<6x8x640xi32, #tpu.memory_space<vmem>> -> memref<1x8x640xi32, #tpu.memory_space<vmem>>
      %dma_start3A_32 = tpu.memref_squeeze %dma_start3A_31 : memref<1x8x640xi32, #tpu.memory_space<vmem>> -> memref<8x640xi32, #tpu.memory_space<vmem>>
      %dma_start3A_33 = arith.constant 0 : i32
      %dma_start3A_34 = tpu.memref_slice %arg7[%mul3A_2, %dma_start3A_33] : memref<256x640xi32, #tpu.memory_space<hbm>> -> memref<8x640xi32, #tpu.memory_space<hbm>>
      tpu.enqueue_dma source(%dma_start3A_34 : memref<8x640xi32, #tpu.memory_space<hbm>>) target(%dma_start3A_32 : memref<8x640xi32, #tpu.memory_space<vmem>>) target_semaphore(%run_scoped3A_23 : memref<!tpu.dma_semaphore, #tpu.memory_space<semaphore_mem>>)
      %dma_wait3A = arith.constant 0 : i32
      %dma_wait3A_35 = arith.constant 0 : i32
      %dma_wait3A_36 = tpu.memref_slice %arg11[%run_scoped3A_6, %dma_wait3A, %dma_wait3A_35] : memref<6x8x640xi32, #tpu.memory_space<vmem>> -> memref<1x8x640xi32, #tpu.memory_space<vmem>>
      %dma_wait3A_37 = tpu.memref_squeeze %dma_wait3A_36 : memref<1x8x640xi32, #tpu.memory_space<vmem>> -> memref<8x640xi32, #tpu.memory_space<vmem>>
      %dma_wait3A_38 = arith.constant 0 : i32
      %dma_wait3A_39 = tpu.memref_slice %arg7[%mul3A_2, %dma_wait3A_38] : memref<256x640xi32, #tpu.memory_space<hbm>> -> memref<8x640xi32, #tpu.memory_space<hbm>>
      %dma_wait3A_40 = arith.constant 0 : i32
      %dma_wait3A_41 = arith.constant 0 : i32
      %dma_wait3A_42 = tpu.memref_slice %arg11[%run_scoped3A_6, %dma_wait3A_40, %dma_wait3A_41] : memref<6x8x640xi32, #tpu.memory_space<vmem>> -> memref<1x8x640xi32, #tpu.memory_space<vmem>>
      %dma_wait3A_43 = tpu.memref_squeeze %dma_wait3A_42 : memref<1x8x640xi32, #tpu.memory_space<vmem>> -> memref<8x640xi32, #tpu.memory_space<vmem>>
      %dma_wait3A_44 = arith.constant 0 : i32
      %dma_wait3A_45 = tpu.memref_slice %arg7[%mul3A_2, %dma_wait3A_44] : memref<256x640xi32, #tpu.memory_space<hbm>> -> memref<8x640xi32, #tpu.memory_space<hbm>>
      tpu.wait_dma2 semaphore(%run_scoped3A_23 : memref<!tpu.dma_semaphore, #tpu.memory_space<semaphore_mem>>) src(%dma_wait3A_45 : memref<8x640xi32, #tpu.memory_space<hbm>>) dst(%dma_wait3A_43 : memref<8x640xi32, #tpu.memory_space<vmem>>)
      tpu.yield
    }) : () -> ()
    %run_scoped3A_7 = arith.constant 5 : i32
    "tpu.region"() ({
      %run_scoped3A_23 = tpu.sem_alloc : memref<!tpu.dma_semaphore, #tpu.memory_space<semaphore_mem>>
      %dma_start3A = arith.constant 0 : i32
      %dma_start3A_24 = arith.constant 0 : i32
      %dma_start3A_25 = tpu.memref_slice %arg11[%run_scoped3A_7, %dma_start3A, %dma_start3A_24] : memref<6x8x640xi32, #tpu.memory_space<vmem>> -> memref<1x8x640xi32, #tpu.memory_space<vmem>>
      %dma_start3A_26 = tpu.memref_squeeze %dma_start3A_25 : memref<1x8x640xi32, #tpu.memory_space<vmem>> -> memref<8x640xi32, #tpu.memory_space<vmem>>
      %dma_start3A_27 = arith.constant 0 : i32
      %dma_start3A_28 = tpu.memref_slice %arg8[%mul3A_2, %dma_start3A_27] : memref<256x640xi32, #tpu.memory_space<hbm>> -> memref<8x640xi32, #tpu.memory_space<hbm>>
      %dma_start3A_29 = arith.constant 0 : i32
      %dma_start3A_30 = arith.constant 0 : i32
      %dma_start3A_31 = tpu.memref_slice %arg11[%run_scoped3A_7, %dma_start3A_29, %dma_start3A_30] : memref<6x8x640xi32, #tpu.memory_space<vmem>> -> memref<1x8x640xi32, #tpu.memory_space<vmem>>
      %dma_start3A_32 = tpu.memref_squeeze %dma_start3A_31 : memref<1x8x640xi32, #tpu.memory_space<vmem>> -> memref<8x640xi32, #tpu.memory_space<vmem>>
      %dma_start3A_33 = arith.constant 0 : i32
      %dma_start3A_34 = tpu.memref_slice %arg8[%mul3A_2, %dma_start3A_33] : memref<256x640xi32, #tpu.memory_space<hbm>> -> memref<8x640xi32, #tpu.memory_space<hbm>>
      tpu.enqueue_dma source(%dma_start3A_34 : memref<8x640xi32, #tpu.memory_space<hbm>>) target(%dma_start3A_32 : memref<8x640xi32, #tpu.memory_space<vmem>>) target_semaphore(%run_scoped3A_23 : memref<!tpu.dma_semaphore, #tpu.memory_space<semaphore_mem>>)
      %dma_wait3A = arith.constant 0 : i32
      %dma_wait3A_35 = arith.constant 0 : i32
      %dma_wait3A_36 = tpu.memref_slice %arg11[%run_scoped3A_7, %dma_wait3A, %dma_wait3A_35] : memref<6x8x640xi32, #tpu.memory_space<vmem>> -> memref<1x8x640xi32, #tpu.memory_space<vmem>>
      %dma_wait3A_37 = tpu.memref_squeeze %dma_wait3A_36 : memref<1x8x640xi32, #tpu.memory_space<vmem>> -> memref<8x640xi32, #tpu.memory_space<vmem>>
      %dma_wait3A_38 = arith.constant 0 : i32
      %dma_wait3A_39 = tpu.memref_slice %arg8[%mul3A_2, %dma_wait3A_38] : memref<256x640xi32, #tpu.memory_space<hbm>> -> memref<8x640xi32, #tpu.memory_space<hbm>>
      %dma_wait3A_40 = arith.constant 0 : i32
      %dma_wait3A_41 = arith.constant 0 : i32
      %dma_wait3A_42 = tpu.memref_slice %arg11[%run_scoped3A_7, %dma_wait3A_40, %dma_wait3A_41] : memref<6x8x640xi32, #tpu.memory_space<vmem>> -> memref<1x8x640xi32, #tpu.memory_space<vmem>>
      %dma_wait3A_43 = tpu.memref_squeeze %dma_wait3A_42 : memref<1x8x640xi32, #tpu.memory_space<vmem>> -> memref<8x640xi32, #tpu.memory_space<vmem>>
      %dma_wait3A_44 = arith.constant 0 : i32
      %dma_wait3A_45 = tpu.memref_slice %arg8[%mul3A_2, %dma_wait3A_44] : memref<256x640xi32, #tpu.memory_space<hbm>> -> memref<8x640xi32, #tpu.memory_space<hbm>>
      tpu.wait_dma2 semaphore(%run_scoped3A_23 : memref<!tpu.dma_semaphore, #tpu.memory_space<semaphore_mem>>) src(%dma_wait3A_45 : memref<8x640xi32, #tpu.memory_space<hbm>>) dst(%dma_wait3A_43 : memref<8x640xi32, #tpu.memory_space<vmem>>)
      tpu.yield
    }) : () -> ()
    %scan3A = arith.constant 0 : i32
    %scan3A_8 = arith.constant 0 : i32
    %scan3A_9 = arith.constant 8 : i32
    %scan3A_10 = arith.addi %scan3A_8, %scan3A_9 : i32
    %scan3A_11 = arith.constant 1 : i32
    %scan3A_12 = scf.for %scan3A_23 = %scan3A_8 to %scan3A_10 step %scan3A_11 iter_args(%scan3A_24 = %scan3A) -> (i32)  : i32 {
      %scan3A_25 = arith.constant 0 : i32
      %scan3A_26 = arith.constant 0 : i32
      %scan3A_27 = arith.constant 40 : i32
      %scan3A_28 = arith.addi %scan3A_26, %scan3A_27 : i32
      %scan3A_29 = arith.constant 1 : i32
      %scan3A_30 = scf.for %scan3A_32 = %scan3A_26 to %scan3A_28 step %scan3A_29 iter_args(%scan3A_33 = %scan3A_25) -> (i32)  : i32 {
        %mul3A_34 = arith.constant 16 : i32
        %mul3A_35 = arith.muli %scan3A_32, %mul3A_34 : i32
        %get3A = arith.constant 0 : i32
        %get3A_36 = arith.index_cast %get3A : i32 to index
        %get3A_37 = arith.index_cast %scan3A_23 : i32 to index
        %get3A_38 = arith.index_cast %mul3A_35 : i32 to index
        %get3A_39 = tpu.vector_load %arg11[%get3A_36, %get3A_37, %get3A_38] {strides = array<i32>} : memref<6x8x640xi32, #tpu.memory_space<vmem>>, vector<16xi32>,
        %mul3A_40 = arith.constant 32 : i32
        %mul3A_41 = vector.broadcast %mul3A_40 : i32 to vector<16xi32>
        %mul3A_42 = arith.muli %get3A_39, %mul3A_41 : vector<16xi32>
        %get3A_43 = arith.constant 1 : i32
        %get3A_44 = arith.index_cast %get3A_43 : i32 to index
        %get3A_45 = arith.index_cast %scan3A_23 : i32 to index
        %get3A_46 = arith.index_cast %mul3A_35 : i32 to index
        %get3A_47 = tpu.vector_load %arg11[%get3A_44, %get3A_45, %get3A_46] {strides = array<i32>} : memref<6x8x640xi32, #tpu.memory_space<vmem>>, vector<16xi32>,
        %mul3A_48 = arith.constant 4 : i32
        %mul3A_49 = vector.broadcast %mul3A_48 : i32 to vector<16xi32>
        %mul3A_50 = arith.muli %get3A_47, %mul3A_49 : vector<16xi32>
        %add3A_51 = arith.addi %mul3A_42, %mul3A_50 : vector<16xi32>
        %get3A_52 = arith.constant 2 : i32
        %get3A_53 = arith.index_cast %get3A_52 : i32 to index
        %get3A_54 = arith.index_cast %scan3A_23 : i32 to index
        %get3A_55 = arith.index_cast %mul3A_35 : i32 to index
        %get3A_56 = tpu.vector_load %arg11[%get3A_53, %get3A_54, %get3A_55] {strides = array<i32>} : memref<6x8x640xi32, #tpu.memory_space<vmem>>, vector<16xi32>,
        %add3A_57 = arith.addi %add3A_51, %get3A_56 : vector<16xi32>
        %swap3A = arith.constant 0 : i32
        %swap3A_58 = arith.index_cast %swap3A : i32 to index
        %swap3A_59 = arith.index_cast %scan3A_23 : i32 to index
        %swap3A_60 = arith.index_cast %mul3A_35 : i32 to index
        %swap3A_61 = tpu.vector_load %arg12[%swap3A_58, %swap3A_59, %swap3A_60] {strides = array<i32>} : memref<2x8x640xi32, #tpu.memory_space<vmem>>, vector<16xi32>,
        tpu.vector_store %arg12[%swap3A_58, %swap3A_59, %swap3A_60], %add3A_57 {strides = array<i32>} : memref<2x8x640xi32, #tpu.memory_space<vmem>>, vector<16xi32>,
        %get3A_62 = arith.constant 3 : i32
        %get3A_63 = arith.index_cast %get3A_62 : i32 to index
        %get3A_64 = arith.index_cast %scan3A_23 : i32 to index
        %get3A_65 = arith.index_cast %mul3A_35 : i32 to index
        %get3A_66 = tpu.vector_load %arg11[%get3A_63, %get3A_64, %get3A_65] {strides = array<i32>} : memref<6x8x640xi32, #tpu.memory_space<vmem>>, vector<16xi32>,
        %mul3A_67 = arith.constant 64 : i32
        %mul3A_68 = vector.broadcast %mul3A_67 : i32 to vector<16xi32>
        %mul3A_69 = arith.muli %get3A_66, %mul3A_68 : vector<16xi32>
        %get3A_70 = arith.constant 4 : i32
        %get3A_71 = arith.index_cast %get3A_70 : i32 to index
        %get3A_72 = arith.index_cast %scan3A_23 : i32 to index
        %get3A_73 = arith.index_cast %mul3A_35 : i32 to index
        %get3A_74 = tpu.vector_load %arg11[%get3A_71, %get3A_72, %get3A_73] {strides = array<i32>} : memref<6x8x640xi32, #tpu.memory_space<vmem>>, vector<16xi32>,
        %mul3A_75 = arith.constant 8 : i32
        %mul3A_76 = vector.broadcast %mul3A_75 : i32 to vector<16xi32>
        %mul3A_77 = arith.muli %get3A_74, %mul3A_76 : vector<16xi32>
        %add3A_78 = arith.addi %mul3A_69, %mul3A_77 : vector<16xi32>
        %get3A_79 = arith.constant 5 : i32
        %get3A_80 = arith.index_cast %get3A_79 : i32 to index
        %get3A_81 = arith.index_cast %scan3A_23 : i32 to index
        %get3A_82 = arith.index_cast %mul3A_35 : i32 to index
        %get3A_83 = tpu.vector_load %arg11[%get3A_80, %get3A_81, %get3A_82] {strides = array<i32>} : memref<6x8x640xi32, #tpu.memory_space<vmem>>, vector<16xi32>,
        %add3A_84 = arith.addi %add3A_78, %get3A_83 : vector<16xi32>
        %add3A_85 = arith.constant 128 : i32
        %add3A_86 = vector.broadcast %add3A_85 : i32 to vector<16xi32>
        %add3A_87 = arith.addi %add3A_84, %add3A_86 : vector<16xi32>
        %swap3A_88 = arith.constant 1 : i32
        %swap3A_89 = arith.index_cast %swap3A_88 : i32 to index
        %swap3A_90 = arith.index_cast %scan3A_23 : i32 to index
        %swap3A_91 = arith.index_cast %mul3A_35 : i32 to index
        %swap3A_92 = tpu.vector_load %arg12[%swap3A_89, %swap3A_90, %swap3A_91] {strides = array<i32>} : memref<2x8x640xi32, #tpu.memory_space<vmem>>, vector<16xi32>,
        tpu.vector_store %arg12[%swap3A_89, %swap3A_90, %swap3A_91], %add3A_87 {strides = array<i32>} : memref<2x8x640xi32, #tpu.memory_space<vmem>>, vector<16xi32>,
        %scan3A_93 = arith.constant 0 : i32
        scf.yield %scan3A_93 : i32
      }
      %scan3A_31 = arith.constant 40 : i32
      scf.yield %scan3A_30 : i32
    }
    %scan3A_13 = arith.constant 8 : i32
    %iota3A = tpu.iota {dimensions = array<i32: 0>} : vector<16xi32>
    %lt3A = arith.constant 1 : i32
    %lt3A_14 = vector.broadcast %lt3A : i32 to vector<16xi32>
    %lt3A_15 = arith.cmpi slt, %iota3A, %lt3A_14 : vector<16xi32>
    %scan3A_16 = arith.constant 0 : i32
    %scan3A_17 = arith.constant 0 : i32
    %scan3A_18 = arith.constant 8 : i32
    %scan3A_19 = arith.addi %scan3A_17, %scan3A_18 : i32
    %scan3A_20 = arith.constant 1 : i32
    %scan3A_21 = scf.for %scan3A_23 = %scan3A_17 to %scan3A_19 step %scan3A_20 iter_args(%scan3A_24 = %scan3A_16) -> (i32)  : i32 {
      %scan3A_25 = arith.constant 0 : i32
      %scan3A_26 = arith.constant 0 : i32
      %scan3A_27 = arith.constant 16 : i32
      %scan3A_28 = arith.addi %scan3A_26, %scan3A_27 : i32
      %scan3A_29 = arith.constant 1 : i32
      %scan3A_30 = scf.for %scan3A_32 = %scan3A_26 to %scan3A_28 step %scan3A_29 iter_args(%scan3A_33 = %scan3A_25) -> (i32)  : i32 {
        %scan3A_34 = arith.constant 0 : i32
        %scan3A_35 = arith.constant 0 : i32
        %scan3A_36 = arith.constant 39 : i32
        %scan3A_37 = arith.addi %scan3A_35, %scan3A_36 : i32
        %scan3A_38 = arith.constant 1 : i32
        %scan3A_39 = scf.for %scan3A_170 = %scan3A_35 to %scan3A_37 step %scan3A_38 iter_args(%scan3A_171 = %scan3A_34) -> (i32)  : i32 {
          %mul3A_172 = arith.constant 16 : i32
          %mul3A_173 = arith.muli %scan3A_170, %mul3A_172 : i32
          %get3A_174 = arith.constant 0 : i32
          %get3A_175 = arith.index_cast %get3A_174 : i32 to index
          %get3A_176 = arith.index_cast %scan3A_23 : i32 to index
          %get3A_177 = arith.index_cast %mul3A_173 : i32 to index
          %get3A_178 = tpu.vector_load %arg12[%get3A_175, %get3A_176, %get3A_177] {strides = array<i32>} : memref<2x8x640xi32, #tpu.memory_space<vmem>>, vector<16xi32>,
          %get3A_179 = arith.constant 1 : i32
          %get3A_180 = arith.index_cast %get3A_179 : i32 to index
          %get3A_181 = arith.index_cast %scan3A_23 : i32 to index
          %get3A_182 = arith.index_cast %mul3A_173 : i32 to index
          %get3A_183 = tpu.vector_load %arg12[%get3A_180, %get3A_181, %get3A_182] {strides = array<i32>} : memref<2x8x640xi32, #tpu.memory_space<vmem>>, vector<16xi32>,
          %mul3A_184 = arith.constant 8 : i32
          %mul3A_185 = arith.muli %scan3A_32, %mul3A_184 : i32
          %add3A_186 = arith.constant 0 : i32
          %add3A_187 = arith.addi %mul3A_185, %add3A_186 : i32
          %mul3A_188 = arith.constant 384 : i32
          %mul3A_189 = arith.muli %add3A_187, %mul3A_188 : i32
          %add3A_190 = vector.broadcast %mul3A_189 : i32 to vector<16xi32>
          %add3A_191 = arith.addi %get3A_178, %add3A_190 : vector<16xi32>
          %gather3A_192 = tpu.vector_load_idx %arg10[%add3A_191] : memref<49152xf32, #tpu.memory_space<vmem>>[vector<16xi32>], vector<16xf32>,
          %add3A_193 = vector.broadcast %mul3A_189 : i32 to vector<16xi32>
          %add3A_194 = arith.addi %get3A_183, %add3A_193 : vector<16xi32>
          %gather3A_195 = tpu.vector_load_idx %arg10[%add3A_194] : memref<49152xf32, #tpu.memory_space<vmem>>[vector<16xi32>], vector<16xf32>,
          %add3A_196 = arith.addf %gather3A_192, %gather3A_195 : vector<16xf32>
          %mul3A_197 = arith.constant 16 : i32
          %mul3A_198 = arith.muli %scan3A_170, %mul3A_197 : i32
          %add3A_199 = arith.constant 0 : i32
          %add3A_200 = arith.addi %add3A_199, %mul3A_198 : i32
          %swap3A_201 = arith.index_cast %add3A_200 : i32 to index
          %swap3A_202 = tpu.vector_load %arg13[%swap3A_201] {strides = array<i32>} : memref<5024xf32, #tpu.memory_space<vmem>>, vector<16xf32>,
          tpu.vector_store %arg13[%swap3A_201], %add3A_196 {strides = array<i32>} : memref<5024xf32, #tpu.memory_space<vmem>>, vector<16xf32>,
          %mul3A_203 = arith.constant 8 : i32
          %mul3A_204 = arith.muli %scan3A_32, %mul3A_203 : i32
          %add3A_205 = arith.constant 1 : i32
          %add3A_206 = arith.addi %mul3A_204, %add3A_205 : i32
          %mul3A_207 = arith.constant 384 : i32
          %mul3A_208 = arith.muli %add3A_206, %mul3A_207 : i32
          %add3A_209 = vector.broadcast %mul3A_208 : i32 to vector<16xi32>
          %add3A_210 = arith.addi %get3A_178, %add3A_209 : vector<16xi32>
          %gather3A_211 = tpu.vector_load_idx %arg10[%add3A_210] : memref<49152xf32, #tpu.memory_space<vmem>>[vector<16xi32>], vector<16xf32>,
          %add3A_212 = vector.broadcast %mul3A_208 : i32 to vector<16xi32>
          %add3A_213 = arith.addi %get3A_183, %add3A_212 : vector<16xi32>
          %gather3A_214 = tpu.vector_load_idx %arg10[%add3A_213] : memref<49152xf32, #tpu.memory_space<vmem>>[vector<16xi32>], vector<16xf32>,
          %add3A_215 = arith.addf %gather3A_211, %gather3A_214 : vector<16xf32>
          %mul3A_216 = arith.constant 16 : i32
          %mul3A_217 = arith.muli %scan3A_170, %mul3A_216 : i32
          %add3A_218 = arith.constant 625 : i32
          %add3A_219 = arith.addi %add3A_218, %mul3A_217 : i32
          %swap3A_220 = arith.index_cast %add3A_219 : i32 to index
          %swap3A_221 = tpu.vector_load %arg13[%swap3A_220] {strides = array<i32>} : memref<5024xf32, #tpu.memory_space<vmem>>, vector<16xf32>,
          tpu.vector_store %arg13[%swap3A_220], %add3A_215 {strides = array<i32>} : memref<5024xf32, #tpu.memory_space<vmem>>, vector<16xf32>,
          %mul3A_222 = arith.constant 8 : i32
          %mul3A_223 = arith.muli %scan3A_32, %mul3A_222 : i32
          %add3A_224 = arith.constant 2 : i32
          %add3A_225 = arith.addi %mul3A_223, %add3A_224 : i32
          %mul3A_226 = arith.constant 384 : i32
          %mul3A_227 = arith.muli %add3A_225, %mul3A_226 : i32
          %add3A_228 = vector.broadcast %mul3A_227 : i32 to vector<16xi32>
          %add3A_229 = arith.addi %get3A_178, %add3A_228 : vector<16xi32>
          %gather3A_230 = tpu.vector_load_idx %arg10[%add3A_229] : memref<49152xf32, #tpu.memory_space<vmem>>[vector<16xi32>], vector<16xf32>,
          %add3A_231 = vector.broadcast %mul3A_227 : i32 to vector<16xi32>
          %add3A_232 = arith.addi %get3A_183, %add3A_231 : vector<16xi32>
          %gather3A_233 = tpu.vector_load_idx %arg10[%add3A_232] : memref<49152xf32, #tpu.memory_space<vmem>>[vector<16xi32>], vector<16xf32>,
          %add3A_234 = arith.addf %gather3A_230, %gather3A_233 : vector<16xf32>
          %mul3A_235 = arith.constant 16 : i32
          %mul3A_236 = arith.muli %scan3A_170, %mul3A_235 : i32
          %add3A_237 = arith.constant 1250 : i32
          %add3A_238 = arith.addi %add3A_237, %mul3A_236 : i32
          %swap3A_239 = arith.index_cast %add3A_238 : i32 to index
          %swap3A_240 = tpu.vector_load %arg13[%swap3A_239] {strides = array<i32>} : memref<5024xf32, #tpu.memory_space<vmem>>, vector<16xf32>,
          tpu.vector_store %arg13[%swap3A_239], %add3A_234 {strides = array<i32>} : memref<5024xf32, #tpu.memory_space<vmem>>, vector<16xf32>,
          %mul3A_241 = arith.constant 8 : i32
          %mul3A_242 = arith.muli %scan3A_32, %mul3A_241 : i32
          %add3A_243 = arith.constant 3 : i32
          %add3A_244 = arith.addi %mul3A_242, %add3A_243 : i32
          %mul3A_245 = arith.constant 384 : i32
          %mul3A_246 = arith.muli %add3A_244, %mul3A_245 : i32
          %add3A_247 = vector.broadcast %mul3A_246 : i32 to vector<16xi32>
          %add3A_248 = arith.addi %get3A_178, %add3A_247 : vector<16xi32>
          %gather3A_249 = tpu.vector_load_idx %arg10[%add3A_248] : memref<49152xf32, #tpu.memory_space<vmem>>[vector<16xi32>], vector<16xf32>,
          %add3A_250 = vector.broadcast %mul3A_246 : i32 to vector<16xi32>
          %add3A_251 = arith.addi %get3A_183, %add3A_250 : vector<16xi32>
          %gather3A_252 = tpu.vector_load_idx %arg10[%add3A_251] : memref<49152xf32, #tpu.memory_space<vmem>>[vector<16xi32>], vector<16xf32>,
          %add3A_253 = arith.addf %gather3A_249, %gather3A_252 : vector<16xf32>
          %mul3A_254 = arith.constant 16 : i32
          %mul3A_255 = arith.muli %scan3A_170, %mul3A_254 : i32
          %add3A_256 = arith.constant 1875 : i32
          %add3A_257 = arith.addi %add3A_256, %mul3A_255 : i32
          %swap3A_258 = arith.index_cast %add3A_257 : i32 to index
          %swap3A_259 = tpu.vector_load %arg13[%swap3A_258] {strides = array<i32>} : memref<5024xf32, #tpu.memory_space<vmem>>, vector<16xf32>,
          tpu.vector_store %arg13[%swap3A_258], %add3A_253 {strides = array<i32>} : memref<5024xf32, #tpu.memory_space<vmem>>, vector<16xf32>,
          %mul3A_260 = arith.constant 8 : i32
          %mul3A_261 = arith.muli %scan3A_32, %mul3A_260 : i32
          %add3A_262 = arith.constant 4 : i32
          %add3A_263 = arith.addi %mul3A_261, %add3A_262 : i32
          %mul3A_264 = arith.constant 384 : i32
          %mul3A_265 = arith.muli %add3A_263, %mul3A_264 : i32
          %add3A_266 = vector.broadcast %mul3A_265 : i32 to vector<16xi32>
          %add3A_267 = arith.addi %get3A_178, %add3A_266 : vector<16xi32>
          %gather3A_268 = tpu.vector_load_idx %arg10[%add3A_267] : memref<49152xf32, #tpu.memory_space<vmem>>[vector<16xi32>], vector<16xf32>,
          %add3A_269 = vector.broadcast %mul3A_265 : i32 to vector<16xi32>
          %add3A_270 = arith.addi %get3A_183, %add3A_269 : vector<16xi32>
          %gather3A_271 = tpu.vector_load_idx %arg10[%add3A_270] : memref<49152xf32, #tpu.memory_space<vmem>>[vector<16xi32>], vector<16xf32>,
          %add3A_272 = arith.addf %gather3A_268, %gather3A_271 : vector<16xf32>
          %mul3A_273 = arith.constant 16 : i32
          %mul3A_274 = arith.muli %scan3A_170, %mul3A_273 : i32
          %add3A_275 = arith.constant 2500 : i32
          %add3A_276 = arith.addi %add3A_275, %mul3A_274 : i32
          %swap3A_277 = arith.index_cast %add3A_276 : i32 to index
          %swap3A_278 = tpu.vector_load %arg13[%swap3A_277] {strides = array<i32>} : memref<5024xf32, #tpu.memory_space<vmem>>, vector<16xf32>,
          tpu.vector_store %arg13[%swap3A_277], %add3A_272 {strides = array<i32>} : memref<5024xf32, #tpu.memory_space<vmem>>, vector<16xf32>,
          %mul3A_279 = arith.constant 8 : i32
          %mul3A_280 = arith.muli %scan3A_32, %mul3A_279 : i32
          %add3A_281 = arith.constant 5 : i32
          %add3A_282 = arith.addi %mul3A_280, %add3A_281 : i32
          %mul3A_283 = arith.constant 384 : i32
          %mul3A_284 = arith.muli %add3A_282, %mul3A_283 : i32
          %add3A_285 = vector.broadcast %mul3A_284 : i32 to vector<16xi32>
          %add3A_286 = arith.addi %get3A_178, %add3A_285 : vector<16xi32>
          %gather3A_287 = tpu.vector_load_idx %arg10[%add3A_286] : memref<49152xf32, #tpu.memory_space<vmem>>[vector<16xi32>], vector<16xf32>,
          %add3A_288 = vector.broadcast %mul3A_284 : i32 to vector<16xi32>
          %add3A_289 = arith.addi %get3A_183, %add3A_288 : vector<16xi32>
          %gather3A_290 = tpu.vector_load_idx %arg10[%add3A_289] : memref<49152xf32, #tpu.memory_space<vmem>>[vector<16xi32>], vector<16xf32>,
          %add3A_291 = arith.addf %gather3A_287, %gather3A_290 : vector<16xf32>
          %mul3A_292 = arith.constant 16 : i32
          %mul3A_293 = arith.muli %scan3A_170, %mul3A_292 : i32
          %add3A_294 = arith.constant 3125 : i32
          %add3A_295 = arith.addi %add3A_294, %mul3A_293 : i32
          %swap3A_296 = arith.index_cast %add3A_295 : i32 to index
          %swap3A_297 = tpu.vector_load %arg13[%swap3A_296] {strides = array<i32>} : memref<5024xf32, #tpu.memory_space<vmem>>, vector<16xf32>,
          tpu.vector_store %arg13[%swap3A_296], %add3A_291 {strides = array<i32>} : memref<5024xf32, #tpu.memory_space<vmem>>, vector<16xf32>,
          %mul3A_298 = arith.constant 8 : i32
          %mul3A_299 = arith.muli %scan3A_32, %mul3A_298 : i32
          %add3A_300 = arith.constant 6 : i32
          %add3A_301 = arith.addi %mul3A_299, %add3A_300 : i32
          %mul3A_302 = arith.constant 384 : i32
          %mul3A_303 = arith.muli %add3A_301, %mul3A_302 : i32
          %add3A_304 = vector.broadcast %mul3A_303 : i32 to vector<16xi32>
          %add3A_305 = arith.addi %get3A_178, %add3A_304 : vector<16xi32>
          %gather3A_306 = tpu.vector_load_idx %arg10[%add3A_305] : memref<49152xf32, #tpu.memory_space<vmem>>[vector<16xi32>], vector<16xf32>,
          %add3A_307 = vector.broadcast %mul3A_303 : i32 to vector<16xi32>
          %add3A_308 = arith.addi %get3A_183, %add3A_307 : vector<16xi32>
          %gather3A_309 = tpu.vector_load_idx %arg10[%add3A_308] : memref<49152xf32, #tpu.memory_space<vmem>>[vector<16xi32>], vector<16xf32>,
          %add3A_310 = arith.addf %gather3A_306, %gather3A_309 : vector<16xf32>
          %mul3A_311 = arith.constant 16 : i32
          %mul3A_312 = arith.muli %scan3A_170, %mul3A_311 : i32
          %add3A_313 = arith.constant 3750 : i32
          %add3A_314 = arith.addi %add3A_313, %mul3A_312 : i32
          %swap3A_315 = arith.index_cast %add3A_314 : i32 to index
          %swap3A_316 = tpu.vector_load %arg13[%swap3A_315] {strides = array<i32>} : memref<5024xf32, #tpu.memory_space<vmem>>, vector<16xf32>,
          tpu.vector_store %arg13[%swap3A_315], %add3A_310 {strides = array<i32>} : memref<5024xf32, #tpu.memory_space<vmem>>, vector<16xf32>,
          %mul3A_317 = arith.constant 8 : i32
          %mul3A_318 = arith.muli %scan3A_32, %mul3A_317 : i32
          %add3A_319 = arith.constant 7 : i32
          %add3A_320 = arith.addi %mul3A_318, %add3A_319 : i32
          %mul3A_321 = arith.constant 384 : i32
          %mul3A_322 = arith.muli %add3A_320, %mul3A_321 : i32
          %add3A_323 = vector.broadcast %mul3A_322 : i32 to vector<16xi32>
          %add3A_324 = arith.addi %get3A_178, %add3A_323 : vector<16xi32>
          %gather3A_325 = tpu.vector_load_idx %arg10[%add3A_324] : memref<49152xf32, #tpu.memory_space<vmem>>[vector<16xi32>], vector<16xf32>,
          %add3A_326 = vector.broadcast %mul3A_322 : i32 to vector<16xi32>
          %add3A_327 = arith.addi %get3A_183, %add3A_326 : vector<16xi32>
          %gather3A_328 = tpu.vector_load_idx %arg10[%add3A_327] : memref<49152xf32, #tpu.memory_space<vmem>>[vector<16xi32>], vector<16xf32>,
          %add3A_329 = arith.addf %gather3A_325, %gather3A_328 : vector<16xf32>
          %mul3A_330 = arith.constant 16 : i32
          %mul3A_331 = arith.muli %scan3A_170, %mul3A_330 : i32
          %add3A_332 = arith.constant 4375 : i32
          %add3A_333 = arith.addi %add3A_332, %mul3A_331 : i32
          %swap3A_334 = arith.index_cast %add3A_333 : i32 to index
          %swap3A_335 = tpu.vector_load %arg13[%swap3A_334] {strides = array<i32>} : memref<5024xf32, #tpu.memory_space<vmem>>, vector<16xf32>,
          tpu.vector_store %arg13[%swap3A_334], %add3A_329 {strides = array<i32>} : memref<5024xf32, #tpu.memory_space<vmem>>, vector<16xf32>,
          %scan3A_336 = arith.constant 0 : i32
          scf.yield %scan3A_336 : i32
        }
        %scan3A_40 = arith.constant 39 : i32
        %get3A = arith.constant 0 : i32
        %get3A_41 = arith.index_cast %get3A : i32 to index
        %get3A_42 = arith.index_cast %scan3A_23 : i32 to index
        %get3A_43 = arith.constant 624 : index
        %get3A_44 = tpu.vector_load %arg12[%get3A_41, %get3A_42, %get3A_43] {strides = array<i32>} : memref<2x8x640xi32, #tpu.memory_space<vmem>>, vector<16xi32>,
        %get3A_45 = arith.constant 1 : i32
        %get3A_46 = arith.index_cast %get3A_45 : i32 to index
        %get3A_47 = arith.index_cast %scan3A_23 : i32 to index
        %get3A_48 = arith.constant 624 : index
        %get3A_49 = tpu.vector_load %arg12[%get3A_46, %get3A_47, %get3A_48] {strides = array<i32>} : memref<2x8x640xi32, #tpu.memory_space<vmem>>, vector<16xi32>,
        %mul3A_50 = arith.constant 8 : i32
        %mul3A_51 = arith.muli %scan3A_32, %mul3A_50 : i32
        %add3A_52 = arith.constant 0 : i32
        %add3A_53 = arith.addi %mul3A_51, %add3A_52 : i32
        %mul3A_54 = arith.constant 384 : i32
        %mul3A_55 = arith.muli %add3A_53, %mul3A_54 : i32
        %add3A_56 = vector.broadcast %mul3A_55 : i32 to vector<16xi32>
        %add3A_57 = arith.addi %get3A_44, %add3A_56 : vector<16xi32>
        %gather3A = tpu.vector_load_idx %arg10[%add3A_57] : memref<49152xf32, #tpu.memory_space<vmem>>[vector<16xi32>], vector<16xf32>,
        %add3A_58 = vector.broadcast %mul3A_55 : i32 to vector<16xi32>
        %add3A_59 = arith.addi %get3A_49, %add3A_58 : vector<16xi32>
        %gather3A_60 = tpu.vector_load_idx %arg10[%add3A_59] : memref<49152xf32, #tpu.memory_space<vmem>>[vector<16xi32>], vector<16xf32>,
        %add3A_61 = arith.addf %gather3A, %gather3A_60 : vector<16xf32>
        %swap3A = arith.constant 624 : index
        %swap3A_62 = tpu.vector_load %arg13[%swap3A] masked %lt3A_15 {strides = array<i32>} : memref<5024xf32, #tpu.memory_space<vmem>>, vector<16xf32>, vector<16xi1>
        tpu.vector_store %arg13[%swap3A], %add3A_61 masked %lt3A_15 {strides = array<i32>} : memref<5024xf32, #tpu.memory_space<vmem>>, vector<16xf32>, vector<16xi1>
        %mul3A_63 = arith.constant 8 : i32
        %mul3A_64 = arith.muli %scan3A_32, %mul3A_63 : i32
        %add3A_65 = arith.constant 1 : i32
        %add3A_66 = arith.addi %mul3A_64, %add3A_65 : i32
        %mul3A_67 = arith.constant 384 : i32
        %mul3A_68 = arith.muli %add3A_66, %mul3A_67 : i32
        %add3A_69 = vector.broadcast %mul3A_68 : i32 to vector<16xi32>
        %add3A_70 = arith.addi %get3A_44, %add3A_69 : vector<16xi32>
        %gather3A_71 = tpu.vector_load_idx %arg10[%add3A_70] : memref<49152xf32, #tpu.memory_space<vmem>>[vector<16xi32>], vector<16xf32>,
        %add3A_72 = vector.broadcast %mul3A_68 : i32 to vector<16xi32>
        %add3A_73 = arith.addi %get3A_49, %add3A_72 : vector<16xi32>
        %gather3A_74 = tpu.vector_load_idx %arg10[%add3A_73] : memref<49152xf32, #tpu.memory_space<vmem>>[vector<16xi32>], vector<16xf32>,
        %add3A_75 = arith.addf %gather3A_71, %gather3A_74 : vector<16xf32>
        %swap3A_76 = arith.constant 1249 : index
        %swap3A_77 = tpu.vector_load %arg13[%swap3A_76] masked %lt3A_15 {strides = array<i32>} : memref<5024xf32, #tpu.memory_space<vmem>>, vector<16xf32>, vector<16xi1>
        tpu.vector_store %arg13[%swap3A_76], %add3A_75 masked %lt3A_15 {strides = array<i32>} : memref<5024xf32, #tpu.memory_space<vmem>>, vector<16xf32>, vector<16xi1>
        %mul3A_78 = arith.constant 8 : i32
        %mul3A_79 = arith.muli %scan3A_32, %mul3A_78 : i32
        %add3A_80 = arith.constant 2 : i32
        %add3A_81 = arith.addi %mul3A_79, %add3A_80 : i32
        %mul3A_82 = arith.constant 384 : i32
        %mul3A_83 = arith.muli %add3A_81, %mul3A_82 : i32
        %add3A_84 = vector.broadcast %mul3A_83 : i32 to vector<16xi32>
        %add3A_85 = arith.addi %get3A_44, %add3A_84 : vector<16xi32>
        %gather3A_86 = tpu.vector_load_idx %arg10[%add3A_85] : memref<49152xf32, #tpu.memory_space<vmem>>[vector<16xi32>], vector<16xf32>,
        %add3A_87 = vector.broadcast %mul3A_83 : i32 to vector<16xi32>
        %add3A_88 = arith.addi %get3A_49, %add3A_87 : vector<16xi32>
        %gather3A_89 = tpu.vector_load_idx %arg10[%add3A_88] : memref<49152xf32, #tpu.memory_space<vmem>>[vector<16xi32>], vector<16xf32>,
        %add3A_90 = arith.addf %gather3A_86, %gather3A_89 : vector<16xf32>
        %swap3A_91 = arith.constant 1874 : index
        %swap3A_92 = tpu.vector_load %arg13[%swap3A_91] masked %lt3A_15 {strides = array<i32>} : memref<5024xf32, #tpu.memory_space<vmem>>, vector<16xf32>, vector<16xi1>
        tpu.vector_store %arg13[%swap3A_91], %add3A_90 masked %lt3A_15 {strides = array<i32>} : memref<5024xf32, #tpu.memory_space<vmem>>, vector<16xf32>, vector<16xi1>
        %mul3A_93 = arith.constant 8 : i32
        %mul3A_94 = arith.muli %scan3A_32, %mul3A_93 : i32
        %add3A_95 = arith.constant 3 : i32
        %add3A_96 = arith.addi %mul3A_94, %add3A_95 : i32
        %mul3A_97 = arith.constant 384 : i32
        %mul3A_98 = arith.muli %add3A_96, %mul3A_97 : i32
        %add3A_99 = vector.broadcast %mul3A_98 : i32 to vector<16xi32>
        %add3A_100 = arith.addi %get3A_44, %add3A_99 : vector<16xi32>
        %gather3A_101 = tpu.vector_load_idx %arg10[%add3A_100] : memref<49152xf32, #tpu.memory_space<vmem>>[vector<16xi32>], vector<16xf32>,
        %add3A_102 = vector.broadcast %mul3A_98 : i32 to vector<16xi32>
        %add3A_103 = arith.addi %get3A_49, %add3A_102 : vector<16xi32>
        %gather3A_104 = tpu.vector_load_idx %arg10[%add3A_103] : memref<49152xf32, #tpu.memory_space<vmem>>[vector<16xi32>], vector<16xf32>,
        %add3A_105 = arith.addf %gather3A_101, %gather3A_104 : vector<16xf32>
        %swap3A_106 = arith.constant 2499 : index
        %swap3A_107 = tpu.vector_load %arg13[%swap3A_106] masked %lt3A_15 {strides = array<i32>} : memref<5024xf32, #tpu.memory_space<vmem>>, vector<16xf32>, vector<16xi1>
        tpu.vector_store %arg13[%swap3A_106], %add3A_105 masked %lt3A_15 {strides = array<i32>} : memref<5024xf32, #tpu.memory_space<vmem>>, vector<16xf32>, vector<16xi1>
        %mul3A_108 = arith.constant 8 : i32
        %mul3A_109 = arith.muli %scan3A_32, %mul3A_108 : i32
        %add3A_110 = arith.constant 4 : i32
        %add3A_111 = arith.addi %mul3A_109, %add3A_110 : i32
        %mul3A_112 = arith.constant 384 : i32
        %mul3A_113 = arith.muli %add3A_111, %mul3A_112 : i32
        %add3A_114 = vector.broadcast %mul3A_113 : i32 to vector<16xi32>
        %add3A_115 = arith.addi %get3A_44, %add3A_114 : vector<16xi32>
        %gather3A_116 = tpu.vector_load_idx %arg10[%add3A_115] : memref<49152xf32, #tpu.memory_space<vmem>>[vector<16xi32>], vector<16xf32>,
        %add3A_117 = vector.broadcast %mul3A_113 : i32 to vector<16xi32>
        %add3A_118 = arith.addi %get3A_49, %add3A_117 : vector<16xi32>
        %gather3A_119 = tpu.vector_load_idx %arg10[%add3A_118] : memref<49152xf32, #tpu.memory_space<vmem>>[vector<16xi32>], vector<16xf32>,
        %add3A_120 = arith.addf %gather3A_116, %gather3A_119 : vector<16xf32>
        %swap3A_121 = arith.constant 3124 : index
        %swap3A_122 = tpu.vector_load %arg13[%swap3A_121] masked %lt3A_15 {strides = array<i32>} : memref<5024xf32, #tpu.memory_space<vmem>>, vector<16xf32>, vector<16xi1>
        tpu.vector_store %arg13[%swap3A_121], %add3A_120 masked %lt3A_15 {strides = array<i32>} : memref<5024xf32, #tpu.memory_space<vmem>>, vector<16xf32>, vector<16xi1>
        %mul3A_123 = arith.constant 8 : i32
        %mul3A_124 = arith.muli %scan3A_32, %mul3A_123 : i32
        %add3A_125 = arith.constant 5 : i32
        %add3A_126 = arith.addi %mul3A_124, %add3A_125 : i32
        %mul3A_127 = arith.constant 384 : i32
        %mul3A_128 = arith.muli %add3A_126, %mul3A_127 : i32
        %add3A_129 = vector.broadcast %mul3A_128 : i32 to vector<16xi32>
        %add3A_130 = arith.addi %get3A_44, %add3A_129 : vector<16xi32>
        %gather3A_131 = tpu.vector_load_idx %arg10[%add3A_130] : memref<49152xf32, #tpu.memory_space<vmem>>[vector<16xi32>], vector<16xf32>,
        %add3A_132 = vector.broadcast %mul3A_128 : i32 to vector<16xi32>
        %add3A_133 = arith.addi %get3A_49, %add3A_132 : vector<16xi32>
        %gather3A_134 = tpu.vector_load_idx %arg10[%add3A_133] : memref<49152xf32, #tpu.memory_space<vmem>>[vector<16xi32>], vector<16xf32>,
        %add3A_135 = arith.addf %gather3A_131, %gather3A_134 : vector<16xf32>
        %swap3A_136 = arith.constant 3749 : index
        %swap3A_137 = tpu.vector_load %arg13[%swap3A_136] masked %lt3A_15 {strides = array<i32>} : memref<5024xf32, #tpu.memory_space<vmem>>, vector<16xf32>, vector<16xi1>
        tpu.vector_store %arg13[%swap3A_136], %add3A_135 masked %lt3A_15 {strides = array<i32>} : memref<5024xf32, #tpu.memory_space<vmem>>, vector<16xf32>, vector<16xi1>
        %mul3A_138 = arith.constant 8 : i32
        %mul3A_139 = arith.muli %scan3A_32, %mul3A_138 : i32
        %add3A_140 = arith.constant 6 : i32
        %add3A_141 = arith.addi %mul3A_139, %add3A_140 : i32
        %mul3A_142 = arith.constant 384 : i32
        %mul3A_143 = arith.muli %add3A_141, %mul3A_142 : i32
        %add3A_144 = vector.broadcast %mul3A_143 : i32 to vector<16xi32>
        %add3A_145 = arith.addi %get3A_44, %add3A_144 : vector<16xi32>
        %gather3A_146 = tpu.vector_load_idx %arg10[%add3A_145] : memref<49152xf32, #tpu.memory_space<vmem>>[vector<16xi32>], vector<16xf32>,
        %add3A_147 = vector.broadcast %mul3A_143 : i32 to vector<16xi32>
        %add3A_148 = arith.addi %get3A_49, %add3A_147 : vector<16xi32>
        %gather3A_149 = tpu.vector_load_idx %arg10[%add3A_148] : memref<49152xf32, #tpu.memory_space<vmem>>[vector<16xi32>], vector<16xf32>,
        %add3A_150 = arith.addf %gather3A_146, %gather3A_149 : vector<16xf32>
        %swap3A_151 = arith.constant 4374 : index
        %swap3A_152 = tpu.vector_load %arg13[%swap3A_151] masked %lt3A_15 {strides = array<i32>} : memref<5024xf32, #tpu.memory_space<vmem>>, vector<16xf32>, vector<16xi1>
        tpu.vector_store %arg13[%swap3A_151], %add3A_150 masked %lt3A_15 {strides = array<i32>} : memref<5024xf32, #tpu.memory_space<vmem>>, vector<16xf32>, vector<16xi1>
        %mul3A_153 = arith.constant 8 : i32
        %mul3A_154 = arith.muli %scan3A_32, %mul3A_153 : i32
        %add3A_155 = arith.constant 7 : i32
        %add3A_156 = arith.addi %mul3A_154, %add3A_155 : i32
        %mul3A_157 = arith.constant 384 : i32
        %mul3A_158 = arith.muli %add3A_156, %mul3A_157 : i32
        %add3A_159 = vector.broadcast %mul3A_158 : i32 to vector<16xi32>
        %add3A_160 = arith.addi %get3A_44, %add3A_159 : vector<16xi32>
        %gather3A_161 = tpu.vector_load_idx %arg10[%add3A_160] : memref<49152xf32, #tpu.memory_space<vmem>>[vector<16xi32>], vector<16xf32>,
        %add3A_162 = vector.broadcast %mul3A_158 : i32 to vector<16xi32>
        %add3A_163 = arith.addi %get3A_49, %add3A_162 : vector<16xi32>
        %gather3A_164 = tpu.vector_load_idx %arg10[%add3A_163] : memref<49152xf32, #tpu.memory_space<vmem>>[vector<16xi32>], vector<16xf32>,
        %add3A_165 = arith.addf %gather3A_161, %gather3A_164 : vector<16xf32>
        %swap3A_166 = arith.constant 4999 : index
        %swap3A_167 = tpu.vector_load %arg13[%swap3A_166] masked %lt3A_15 {strides = array<i32>} : memref<5024xf32, #tpu.memory_space<vmem>>, vector<16xf32>, vector<16xi1>
        tpu.vector_store %arg13[%swap3A_166], %add3A_165 masked %lt3A_15 {strides = array<i32>} : memref<5024xf32, #tpu.memory_space<vmem>>, vector<16xf32>, vector<16xi1>
        %add3A_168 = arith.addi %mul3A_2, %scan3A_23 : i32
        "tpu.region"() ({
          %run_scoped3A_170 = tpu.sem_alloc : memref<!tpu.dma_semaphore, #tpu.memory_space<semaphore_mem>>
          %dma_start3A = arith.constant 0 : i32
          %dma_start3A_171 = tpu.memref_slice %arg13[%dma_start3A] : memref<5024xf32, #tpu.memory_space<vmem>> -> memref<5000xf32, #tpu.memory_space<vmem>>
          %dma_start3A_172 = arith.constant 0 : i32
          %dma_start3A_173 = tpu.memref_slice %arg9[%add3A_168, %scan3A_32, %dma_start3A_172] : memref<256x16x5000xf32, #tpu.memory_space<hbm>> -> memref<1x1x5000xf32, #tpu.memory_space<hbm>>
          %dma_start3A_174 = tpu.memref_squeeze %dma_start3A_173 : memref<1x1x5000xf32, #tpu.memory_space<hbm>> -> memref<5000xf32, #tpu.memory_space<hbm>>
          %dma_start3A_175 = arith.constant 0 : i32
          %dma_start3A_176 = tpu.memref_slice %arg9[%add3A_168, %scan3A_32, %dma_start3A_175] : memref<256x16x5000xf32, #tpu.memory_space<hbm>> -> memref<1x1x5000xf32, #tpu.memory_space<hbm>>
          %dma_start3A_177 = tpu.memref_squeeze %dma_start3A_176 : memref<1x1x5000xf32, #tpu.memory_space<hbm>> -> memref<5000xf32, #tpu.memory_space<hbm>>
          %dma_start3A_178 = arith.constant 0 : i32
          %dma_start3A_179 = tpu.memref_slice %arg13[%dma_start3A_178] : memref<5024xf32, #tpu.memory_space<vmem>> -> memref<5000xf32, #tpu.memory_space<vmem>>
          tpu.enqueue_dma source(%dma_start3A_179 : memref<5000xf32, #tpu.memory_space<vmem>>) target(%dma_start3A_177 : memref<5000xf32, #tpu.memory_space<hbm>>) target_semaphore(%run_scoped3A_170 : memref<!tpu.dma_semaphore, #tpu.memory_space<semaphore_mem>>)
          %dma_wait3A = arith.constant 0 : i32
          %dma_wait3A_180 = tpu.memref_slice %arg13[%dma_wait3A] : memref<5024xf32, #tpu.memory_space<vmem>> -> memref<5000xf32, #tpu.memory_space<vmem>>
          %dma_wait3A_181 = arith.constant 0 : i32
          %dma_wait3A_182 = tpu.memref_slice %arg9[%add3A_168, %scan3A_32, %dma_wait3A_181] : memref<256x16x5000xf32, #tpu.memory_space<hbm>> -> memref<1x1x5000xf32, #tpu.memory_space<hbm>>
          %dma_wait3A_183 = tpu.memref_squeeze %dma_wait3A_182 : memref<1x1x5000xf32, #tpu.memory_space<hbm>> -> memref<5000xf32, #tpu.memory_space<hbm>>
          %dma_wait3A_184 = arith.constant 0 : i32
          %dma_wait3A_185 = tpu.memref_slice %arg9[%add3A_168, %scan3A_32, %dma_wait3A_184] : memref<256x16x5000xf32, #tpu.memory_space<hbm>> -> memref<1x1x5000xf32, #tpu.memory_space<hbm>>
          %dma_wait3A_186 = tpu.memref_squeeze %dma_wait3A_185 : memref<1x1x5000xf32, #tpu.memory_space<hbm>> -> memref<5000xf32, #tpu.memory_space<hbm>>
          %dma_wait3A_187 = arith.constant 0 : i32
          %dma_wait3A_188 = tpu.memref_slice %arg13[%dma_wait3A_187] : memref<5024xf32, #tpu.memory_space<vmem>> -> memref<5000xf32, #tpu.memory_space<vmem>>
          tpu.wait_dma2 semaphore(%run_scoped3A_170 : memref<!tpu.dma_semaphore, #tpu.memory_space<semaphore_mem>>) src(%dma_wait3A_188 : memref<5000xf32, #tpu.memory_space<vmem>>) dst(%dma_wait3A_186 : memref<5000xf32, #tpu.memory_space<hbm>>)
          tpu.yield
        }) : () -> ()
        %scan3A_169 = arith.constant 0 : i32
        scf.yield %scan3A_169 : i32
      }
      %scan3A_31 = arith.constant 16 : i32
      scf.yield %scan3A_30 : i32
    }
    %scan3A_22 = arith.constant 8 : i32
    return
  }
}

</mosaic_0001>

<sc_bundles>
// kernel: kernel.3.cloned.1.call-start
scs
__scs_entry_jumppad:
0x0: {  	(pc) =	sbr.rel $0x88, $3  }
0x1: {  	(tag) =	ssettag $0x0;
	lr =	simm.s32 $0x1  }
0x2: {  	[smem:$0x3F95] =	sst lr;
	_ =	strace $0xD0000000  }
0x3: {  	_ = 	snop  }
0x4: {  	_ = 	snop  }
0x5: {  	_ = 	snop  }
0x6: {  	_ = 	snop  }
0x7: {  	_ = 	snop  }
__scs_overlays_trampoline_lowered:
0x8: {  	[smem:$0x3FA4] =	sst s0  }
0x9: {  	[smem:$0x3FA5] =	sst s1  }
0xa: {  	[smem:$0x3FA6] =	sst s2  }
0xb: {  	[smem:$0x3FA7] =	sst s3  }
0xc: {  	[smem:$0x3FA8] =	sst s4  }
0xd: {  	[smem:$0x3FA9] =	sst s5  }
0xe: {  	[smem:$0x3FAA] =	sst s6  }
0xf: {  	[smem:$0x3FAB] =	sst s7  }
0x10: {  	[smem:$0x3FAC] =	sst s8  }
0x11: {  	[smem:$0x3FAD] =	sst s9;
	s0 =	simm.s32 @!p0 $0x0  }
0x12: {  	s1 =	sld [smem:$0x3F93];
	s0 =	simm.s32 @p0 $0x1  }
0x13: {  	[smem:$0x3FAE] =	sst s0;
	s0 =	simm.s32 @!p1 $0x0  }
0x14: {  	s2 =	sld [smem:$0x3F92];
	s0 =	simm.s32 @p1 $0x1  }
0x15: {  	[smem:$0x3FAF] =	sst s0;
	s0 =	simm.s32 @!p2 $0x0  }
0x16: {  	s3 =	sld [smem:$0x3FDB];
	s0 =	simm.s32 @p2 $0x1  }
0x17: {  	s4 =	simm.s32 $0x1BF5;
	[smem:$0x3FB1] =	sst s0  }
0x18: {  	s0 =	sld [smem:$0x3F94];
	_ =	swait.ge [sflag:s4], $0x0  }
0x19: {  	s7 =	sld [smem:$0x3F95]  }
0x1a: {  	s8 =	sadd.s32 $0xFFFFE003, lr  }
0x1b: {  	s9 =	sadd.s32 $0xFFFFFEF7, lr;
	s5 =	simm.s32 $0xFFFFFFFF;
	p2 =	slt.u32 s8, $0xFFFFF086  }
0x1c: {  	p1 =	slt.u32 s9, $0xF7A;
	s5 =	simm.s32 @!p2 $0x0  }
0x1d: {  	s5 =	simm.s32 @p1 $0x1;
	p0 =	seq.s32 s7, s2  }
0x1e: {  	s7 =	smul.u32 @!p0 $0xF7A, s2;
	p2 =	seq.s32 @!p0 s5, $0x0  }
0x1f: {  	s9 =	smul.u32 $0xF7A, s1;
	s8 =	simm.s32 @!p0 $0x1BF5;
	p2 =	por !p2, p0  }
0x20: {  	[sflag:s8] =	ssyncset.s32 @!p0 $0xFFFFF086;
	s6 =	sadd.s32 @!p0 s3, s7;
	s7 =	simm.s32 @!p0 $0x108  }
0x21: {  	s3 =	sadd.s32 s3, s9;
	s6 =	sadd.s32 @!p0 $0x88, s6;
	s7 =	simm.s32 @p2 $0x1082  }
0x22: {  	[simem:s7], [sflag:s8] =	dma.local @!p0 [hbm:s6], $0xF7A  }
0x23: {  	s9 =	sor.u32 $0xD0000000, s2;
	s6 =	simm.s32 $0x108;
	_ =	swait.ge @!p0 [sflag:s8], $0x0  }
0x24: {  	s3 =	sadd.s32 $0x88, s3;
	s6 =	simm.s32 @!p1 $0x1082;
	[sflag:s4] =	ssyncset.s32 $0xFFFFF086  }
0x25: {  	[simem:s6], [sflag:s4] =	dma.local [hbm:s3], $0xF7A  }
0x26: {  	[smem:$0x3F95] =	sst s1;
	(tag) =	ssettag s2;
	_ =	strace s9  }
0x27: {  	s1 =	sld [smem:$0x3FA5]  }
0x28: {  	s2 =	sld [smem:$0x3FA6]  }
0x29: {  	s4 =	sld [smem:$0x3FA8]  }
0x2a: {  	p0 =	seq.s32 s5, $0x0;
	s5 =	sld [smem:$0x3FA9]  }
0x2b: {  	s6 =	sld [smem:$0x3FAA]  }
0x2c: {  	s7 =	sld [smem:$0x3FAB]  }
0x2d: {  	s3 =	simm.s32 $0x108;
	s8 =	sld [smem:$0x3FAC]  }
0x2e: {  	s3 =	simm.s32 @!p0 $0x1082;
	s9 =	sld [smem:$0x3FAD]  }
0x2f: {  	lr =	sadd.s32 s0, s3;
	s0 =	sld [smem:$0x3FA4]  }
0x30: {  	s3 =	sld [smem:$0x3FA7]  }
0x31: {  	[smem:$0x3FB0] =	sst s10  }
0x32: {  	s10 =	sld [smem:$0x3FAE];
	_ =	sdelay $0x3  }
0x33: {  	p0 =	seq.s32 s10, $0x1;
	s10 =	sld [smem:$0x3FB0];
	_ =	sdelay $0x3  }
0x34: {  	[smem:$0x3FB0] =	sst s10  }
0x35: {  	s10 =	sld [smem:$0x3FAF];
	_ =	sdelay $0x3  }
0x36: {  	p1 =	seq.s32 s10, $0x1;
	s10 =	sld [smem:$0x3FB0];
	_ =	sdelay $0x3  }
0x37: {  	[smem:$0x3FB0] =	sst s10  }
0x38: {  	s10 =	sld [smem:$0x3FB1]  }
0x39: {  	_ = 	snop;
	(pc) =	sbr.ind lr, $3  }
0x3a: {  	_ = 	snop  }
0x3b: {  	_ = 	snop  }
0x3c: {  	p2 =	seq.s32 s10, $0x1;
	s10 =	sld [smem:$0x3FB0]  }
0x3d: {  	_ =	shalt  }
0x3e: {  	_ =	shalt  }
0x3f: {  	_ =	shalt  }
0x40: {  	_ =	shalt  }
0x41: {  	_ =	shalt  }
0x42: {  	_ =	shalt  }
0x43: {  	_ =	shalt  }
0x44: {  	_ =	shalt  }
0x45: {  	_ =	shalt  }
0x46: {  	_ =	shalt  }
0x47: {  	_ =	shalt  }
0x48: {  	_ =	shalt  }
0x49: {  	_ =	shalt  }
0x4a: {  	_ =	shalt  }
0x4b: {  	_ =	shalt  }
0x4c: {  	_ =	shalt  }
0x4d: {  	_ =	shalt  }
0x4e: {  	_ =	shalt  }
0x4f: {  	_ =	shalt  }
0x50: {  	_ =	shalt  }
0x51: {  	_ =	shalt  }
0x52: {  	_ =	shalt  }
0x53: {  	_ =	shalt  }
0x54: {  	_ =	shalt  }
0x55: {  	_ =	shalt  }
0x56: {  	_ =	shalt  }
0x57: {  	_ =	shalt  }
0x58: {  	_ =	shalt  }
0x59: {  	_ =	shalt  }
0x5a: {  	_ =	shalt  }
0x5b: {  	_ =	shalt  }
0x5c: {  	_ =	shalt  }
0x5d: {  	_ =	shalt  }
0x5e: {  	_ =	shalt  }
0x5f: {  	_ =	shalt  }
0x60: {  	_ =	shalt  }
0x61: {  	_ =	shalt  }
0x62: {  	_ =	shalt  }
0x63: {  	_ =	shalt  }
0x64: {  	_ =	shalt  }
0x65: {  	_ =	shalt  }
0x66: {  	_ =	shalt  }
0x67: {  	_ =	shalt  }
0x68: {  	_ =	shalt  }
0x69: {  	_ =	shalt  }
0x6a: {  	_ =	shalt  }
0x6b: {  	_ =	shalt  }
0x6c: {  	_ =	shalt  }
0x6d: {  	_ =	shalt  }
0x6e: {  	_ =	shalt  }
0x6f: {  	_ =	shalt  }
0x70: {  	_ =	shalt  }
0x71: {  	_ =	shalt  }
0x72: {  	_ =	shalt  }
0x73: {  	_ =	shalt  }
0x74: {  	_ =	shalt  }
0x75: {  	_ =	shalt  }
0x76: {  	_ =	shalt  }
0x77: {  	_ =	shalt  }
0x78: {  	_ =	shalt  }
0x79: {  	_ =	shalt  }
0x7a: {  	_ =	shalt  }
0x7b: {  	_ =	shalt  }
0x7c: {  	_ =	shalt  }
0x7d: {  	_ =	shalt  }
0x7e: {  	_ =	shalt  }
0x7f: {  	_ =	shalt  }
0x80: {  	_ =	shalt  }
0x81: {  	_ =	shalt  }
0x82: {  	_ =	shalt  }
0x83: {  	_ =	shalt  }
0x84: {  	_ =	shalt  }
0x85: {  	_ =	shalt  }
0x86: {  	_ =	shalt  }
0x87: {  	_ =	shalt  }
.Lfunc_end0:
.L_simem_size_0:
called_computation.2_lowered:
.L_overlay_start_0:
0x88: {  	s2 =	sld [smem:$0x3FD9]  }
0x89: {  	s3 =	sld [smem:$0x3FFE];
	_ =	sdelay $0x1  }
0x8a: {  	s1 =	srdreg.scid  }
0x8b: {  	s0 =	sand.u32 $0x1, s1  }
0x8c: {  	s17 =	sshll.u32 s0, $0xA;
	s2 =	sadd.s32 s3, s2  }
0x8d: {  	s2 =	sadd.s32 s2, s17  }
0x8e: {  	[smem:$0x3FBC] =	sst s2  }
0x8f: {  	_ = 	snop  }
0x90: {  	s2 =	sld [smem:$0x3FD0];
	(tm) =	ssettm $0x1  }
0x91: {  	s18 =	sld [smem:$0x3FFB];
	_ =	sdelay $0x3  }
0x92: {  	_ =	strace s18  }
0x93: {  	s3 =	sld [smem:$0x3FFC];
	_ =	sdelay $0x3  }
0x94: {  	_ =	strace s3  }
0x95: {  	s3 =	sld [smem:$0x3FFD];
	_ =	sdelay $0x3  }
0x96: {  	_ =	strace s3  }
0x97: {  	_ =	strace $0x8FFFFFFF  }
0x98: {  	s19 =	sld [smem:$0x3FDB];
	_ =	sdelay $0x1  }
0x99: {  	s4 =	simm.s32 $_scs_section_size  }
0x9a: {  	s5 =	simm.s32 $_size__tile_overlayer_lowered;
	s6 =	simm.s32 $_tile_overlayer_lowered  }
0x9b: {  	s22 =	simm.s32 $0x1BFF;
	s21 =	sshll.u32 s6, $0x1;
	s3 =	sadd.s32 s4, s19  }
0x9c: {  	s7 =	simm.s32 $0x0;
	s20 =	sshll.u32 s5, $0x1;
	s5 =	sadd.s32 s21, s3  }
0x9d: {  	[timem:s7], [sflag:s22] =	dma.local [hbm:s5], s20  }
0x9e: {  	_ =	swait.ge [sflag:s22], s20  }
0x9f: {  	s4 =	ssub.s32 $0x0, s20;
	[sflag:s22] =	ssyncset.done $0x0  }
0xa0: {  	[sflag:s22] =	ssyncadd.s32 s4;
	_ =	sdelay $0x1  }
0xa1: {  	s23 =	simm.s32 $0x1B8B  }
0xa2: {  	_ =	swait.ge [sflag:s23], $0x1  }
0xa3: {  	[sflag:s23] =	ssyncset.done $0x0  }
0xa4: {  	s25 =	simm.s32 $0x1B8E;
	s24 =	sld [smem:$0x3FFE];
	[sflag:s23] =	ssyncadd.s32 $0xFFFFFFFF  }
0xa5: {  	s26 =	simm.s32 $execute0_lowered;
	[smem:$0x3FD2] =	sst s25  }
0xa6: {  	s5 =	sshll.u32 s26, $0x1;
	_ =	strace $0x80000046;
	[dreg:$0x1] =	wrdreg $0xFFFFFFFF  }
0xa7: {  	s28 =	simm.s32 $_size_execute0_lowered;
	s3 =	sadd.s32 s3, s5;
	[dreg:$0x0] =	wrdreg $0x0  }
0xa8: {  	s5 =	sshll.u32 s28, $0x1;
	[dreg:$0x2] =	wrdreg s3  }
0xa9: {  	[dreg:$0x3] =	wrdreg s5  }
0xaa: {  	[dreg:$0x4] =	wrdreg $0xC0  }
0xab: {  	_ =	task [dreg:s7], $0x5FFFF  }
0xac: {  	[dreg:$0x1] =	wrdreg $0xFFFFFFFF  }
0xad: {  	[dreg:$0x0] =	wrdreg $0x60  }
0xae: {  	[dreg:$0x2] =	wrdreg s24  }
0xaf: {  	[dreg:$0x3] =	wrdreg s2  }
0xb0: {  	[dreg:$0x4] =	wrdreg $0x9  }
0xb1: {  	_ =	task.clear_ibuf [dreg:s7], $0x5FFFF;
	_ =	strace $0x90000046  }
0xb2: {  	s29 =	simm.s32 $0x9;
	_ =	strace $0x80000048  }
0xb3: {  	_ =	swait.ge [sflag:s29], $0x1  }
0xb4: {  	[sflag:s29] =	ssyncadd.s32 $0xFFFFFFFF  }
0xb5: {  	_ =	strace $0x90000048  }
0xb6: {  	_ =	sfence  }
0xb7: {  	s30 =	sld [smem:$0x0];
	_ =	sdelay $0x2  }
0xb8: {  	s31 =	sshll.u32 s1, $0xD;
	s1 =	sshrl.u32 s1, $0x2  }
0xb9: {  	s3 =	sand.u32 $0x4000, s31;
	s1 =	sadd.s32 s1, s30  }
0xba: {  	s0 =	sor.u32 s3, s0;
	s1 =	sshll.u32 s1, $0x11  }
0xbb: {  	s0 =	sor.u32 s1, s0  }
0xbc: {  	s0 =	sadd.s32 $0x8F2B, s0  }
0xbd: {  	[sflag:s0] =	ssyncadd.remote.s32 $0x1  }
0xbe: {  	_ =	sfence.sel $0xFFFF  }
0xbf: {  	[dreg:$0x0] =	wrdreg $0xFFFFFFFF;
	(pc) =	sbr.abs _section_cstart, $3  }
0xc0: {  	[dreg:$0x1] =	wrdreg $0xFFFFFFFF  }
0xc1: {  	_ =	task.clear_ibuf [dreg:s7], $0x2FFFF;
	_ =	strace $0x9FFFFFFF  }
0xc2: {  	(tm) =	ssettm $0x7FFFFFFF  }
0xc3: {  	_ =	shalt  }
tec
execute0_lowered:
.L_overlay_start_1:
0x0: {  	(tag) =	ssettag $0x1  }
0x1: {  	s0 =	srdreg.scid  }
0x2: {  	s1 =	rddreg [dreg:$0x0];
	s3 =	stileid.u32  }
0x3: {  	s2 =	rddreg [dreg:$0x1];
	s13 =	simm.s32 $0x1;
	s18 =	simm.s32 $0x12400  }
0x4: {  	s19 =	simm.s32 $0x16270;
	s20 =	simm.s32 $0x164E1;
	s21 =	simm.s32 $0x16752  }
0x5: {  	s22 =	simm.s32 $0x169C3;
	s23 =	simm.s32 $0x16C34;
	s24 =	simm.s32 $0x16EA5  }
0x6: {  	s25 =	simm.s32 $0x17116;
	s26 =	simm.s32 $0x17387;
	s0 =	sand.u32 $0x1, s0  }
0x7: {  	s28 =	simm.s32 $0x16000;
	s4 =	sshll.u32 s3, $0x4;
	s5 =	sshll.u32 s0, $0x3  }
0x8: {  	s3 =	simm.s32 $0x0;
	s0 =	ssub.s32 $0x2, s0;
	s4 =	sor.u32 s5, s4  }
0x9: {  	[smem:$0x7FF] =	sst s3;
	s31 =	sshrl.u32 s0, $0x1;
	s6 =	smul.u32 $0x50, s4  }
0xa: {  	s29 =	simm.s32 $0x0;
	_ =	strace $0x80000047;
	s0 =	ssub.s32 s0, s31  }
0xb: {  	s5 =	sadd.s32 $0xC00, s1;
	s12 =	smax.u32 s0, $0x1;
	s1 =	sadd.s32 s6, s1  }
0xc: {  	s6 =	sadd.s32 $0x2400, s1;
	s7 =	sadd.s32 $0x7400, s1;
	s8 =	sadd.s32 $0xC400, s1  }
0xd: {  	s9 =	sadd.s32 $0x11400, s1;
	s10 =	sadd.s32 $0x16400, s1;
	s11 =	sadd.s32 $0x1B400, s1  }
.LBB2_1:
0xe: {  	[tilespmem:s3], [sflag:$0x1] =	stream.linear.gather [hbm4b:s5+s3], $0xC000, $0x38;
	[tilespmem:$0x173A0] =	vst v63  }
0xf: {  	_ =	swait.ge [sflag:s13], $0xC000  }
0x10: {  	[sflag:s13] =	ssyncset.done $0x0  }
0x11: {  	s0 =	simm.s32 $0xC000;
	[sflag:s13] =	ssyncadd.s32 $0xFFFF4000  }
0x12: {  	[tilespmem:s0], [sflag:$0x1] =	stream.linear.gather [hbm4b:s6+s3], $0x1400, $0x38;
	[tilespmem:$0x173A0] =	vst v63  }
0x13: {  	_ =	swait.ge [sflag:s13], $0x1400  }
0x14: {  	[sflag:s13] =	ssyncset.done $0x0  }
0x15: {  	s1 =	simm.s32 $0xD400;
	[sflag:s13] =	ssyncadd.s32 $0xFFFFEC00  }
0x16: {  	[tilespmem:s1], [sflag:$0x1] =	stream.linear.gather [hbm4b:s7+s3], $0x1400, $0x38;
	[tilespmem:$0x173A0] =	vst v63  }
0x17: {  	_ =	swait.ge [sflag:s13], $0x1400  }
0x18: {  	[sflag:s13] =	ssyncset.done $0x0  }
0x19: {  	s17 =	simm.s32 $0xE800;
	[sflag:s13] =	ssyncadd.s32 $0xFFFFEC00  }
0x1a: {  	[tilespmem:s17], [sflag:$0x1] =	stream.linear.gather [hbm4b:s8+s3], $0x1400, $0x38;
	[tilespmem:$0x173A0] =	vst v63  }
0x1b: {  	_ =	swait.ge [sflag:s13], $0x1400  }
0x1c: {  	[sflag:s13] =	ssyncset.done $0x0  }
0x1d: {  	s30 =	simm.s32 $0xFC00;
	[sflag:s13] =	ssyncadd.s32 $0xFFFFEC00  }
0x1e: {  	[tilespmem:s30], [sflag:$0x1] =	stream.linear.gather [hbm4b:s9+s3], $0x1400, $0x38;
	[tilespmem:$0x173A0] =	vst v63  }
0x1f: {  	_ =	swait.ge [sflag:s13], $0x1400  }
0x20: {  	[sflag:s13] =	ssyncset.done $0x0  }
0x21: {  	s31 =	simm.s32 $0x11000;
	[sflag:s13] =	ssyncadd.s32 $0xFFFFEC00  }
0x22: {  	[tilespmem:s31], [sflag:$0x1] =	stream.linear.gather [hbm4b:s10+s3], $0x1400, $0x38;
	[tilespmem:$0x173A0] =	vst v63  }
0x23: {  	_ =	swait.ge [sflag:s13], $0x1400  }
0x24: {  	[sflag:s13] =	ssyncset.done $0x0  }
0x25: {  	[sflag:s13] =	ssyncadd.s32 $0xFFFFEC00  }
0x26: {  	[tilespmem:s18], [sflag:$0x1] =	stream.linear.gather [hbm4b:s11+s3], $0x1400, $0x38;
	[tilespmem:$0x173A0] =	vst v63  }
0x27: {  	_ =	swait.ge [sflag:s13], $0x1400  }
0x28: {  	[sflag:s13] =	ssyncset.done $0x0  }
0x29: {  	s14 =	simm.s32 $0x0;
	s1 =	simm.s32 $0x13800;
	[sflag:s13] =	ssyncadd.s32 $0xFFFFEC00  }
.LBB2_2:
0x2a: {  	v1 =	vmov s0;
	_ =	sdelay $0x3  }
0x2b: {  	s15 =	simm.s32 $0x0  }
0x2c: {  	v2 =	vld.idx.msk [tilespmem:v1+s15+$0x0 ss:$0x1], $0xffff  }
0x2d: {  	v3 =	vld.idx.msk [tilespmem:v1+s15+$0x1400 ss:$0x1], $0xffff;
	_ =	sdelay $0x1  }
0x2e: {  	v4 =	vld.idx.msk [tilespmem:v1+s15+$0x2800 ss:$0x1], $0xffff  }
0x2f: {  	v0 =	vmov s1;
	_ =	sdelay $0x1  }
0x30: {  	v2 =	vshll.u32 v2, $0x5;
	v3 =	vshll.u32 v3, $0x2  }
0x31: {  	v2 =	vadd.s32 v2, v3  }
0x32: {  	v2 =	vadd.s32 v4, v2  }
0x33: {  	[tilespmem:v0+s15+$0x0 ss:$0x1] =	vst.idx.msk $0xffff, v2  }
0x34: {  	v3 =	vld.idx.msk [tilespmem:v1+s15+$0x3C00 ss:$0x1], $0xffff  }
0x35: {  	v4 =	vld.idx.msk [tilespmem:v1+s15+$0x5000 ss:$0x1], $0xffff;
	_ =	sdelay $0x1  }
0x36: {  	v2 =	vld.idx.msk [tilespmem:v1+s15+$0x6400 ss:$0x1], $0xffff;
	_ =	sdelay $0x2  }
0x37: {  	s16 =	simm.s32 $0x40;
	v3 =	vshll.u32 v3, $0x6;
	v4 =	vshll.u32 v4, $0x3  }
.LBB2_3:
0x38: {  	p0 =	sne.s32 s16, $0x9C0;
	v3 =	vadd.s32 v4, v3;
	s30 =	smov.u32 s16;
	s16 =	sadd.s32 $0x40, s16  }
0x39: {  	v2 =	vadd.s32 v2, v3  }
0x3a: {  	s30 =	sshra.s32 s30, $0x2;
	v2 =	vadd.s32 $0x80, v2  }
0x3b: {  	[tilespmem:v0+s15+$0x1400 ss:$0x1] =	vst.idx.msk $0xffff, v2;
	s15 =	smov.u32 s30  }
0x3c: {  	v2 =	vld.idx.msk [tilespmem:v1+s15+$0x0 ss:$0x1], $0xffff  }
0x3d: {  	v3 =	vld.idx.msk [tilespmem:v1+s15+$0x1400 ss:$0x1], $0xffff;
	_ =	sdelay $0x1  }
0x3e: {  	v4 =	vld.idx.msk [tilespmem:v1+s15+$0x2800 ss:$0x1], $0xffff;
	_ =	sdelay $0x3  }
0x3f: {  	v2 =	vshll.u32 v2, $0x5;
	v3 =	vshll.u32 v3, $0x2  }
0x40: {  	v2 =	vadd.s32 v2, v3  }
0x41: {  	v2 =	vadd.s32 v4, v2  }
0x42: {  	[tilespmem:v0+s15+$0x0 ss:$0x1] =	vst.idx.msk $0xffff, v2  }
0x43: {  	v3 =	vld.idx.msk [tilespmem:v1+s15+$0x3C00 ss:$0x1], $0xffff  }
0x44: {  	v4 =	vld.idx.msk [tilespmem:v1+s15+$0x5000 ss:$0x1], $0xffff;
	_ =	sdelay $0x1  }
.Ltmp0:
0x45: {  	v2 =	vld.idx.msk [tilespmem:v1+s15+$0x6400 ss:$0x1], $0xffff;
	(pc) =	sbr.rel @p0 .LBB2_3-.Ltmp0, $3  }
0x46: {  	_ =	sdelay $0x1  }
0x47: {  	v3 =	vshll.u32 v3, $0x6  }
0x48: {  	v4 =	vshll.u32 v4, $0x3  }
0x49: {  	s14 =	sadd.s32 $0x1, s14  }
0x4a: {  	p0 =	sne.s32 s14, $0x8  }
.Ltmp1:
0x4b: {  	_ = 	snop;
	(pc) =	sbr.rel @p0 .LBB2_2-.Ltmp1, $4  }
0x4c: {  	v1 =	vadd.s32 v4, v3  }
0x4d: {  	v1 =	vadd.s32 v2, v1  }
0x4e: {  	v1 =	vadd.s32 $0x80, v1  }
0x4f: {  	s1 =	sadd.s32 $0x280, s1;
	s0 =	sadd.s32 $0x280, s0;
	[tilespmem:v0+s15+$0x1400 ss:$0x1] =	vst.idx.msk $0xffff, v1  }
0x50: {  	s30 =	simm.s32 $0x0;
	s31 =	simm.s32 $0x14C00  }
.LBB2_6:
0x51: {  	s0 =	smul.u32 $0xA00, s30  }
0x52: {  	s14 =	sadd.s32 s4, s30  }
0x53: {  	v0 =	vmov s31;
	s1 =	sshra.s32 s0, $0x2;
	s0 =	smul.u32 $0x13880, s14;
	s14 =	simm.s32 $0x0  }
.LBB2_7:
0x54: {  	_ =	sdelay $0x2  }
0x55: {  	s15 =	simm.s32 $0x0  }
0x56: {  	v9 =	vld.idx.msk [tilespmem:v0+s15+$0xFFFFEC00 ss:$0x1], $0xffff  }
0x57: {  	v10 =	vld.idx.msk [tilespmem:v0+s15+$0x0 ss:$0x1], $0xffff  }
0x58: {  	s16 =	smul.u32 $0xC00, s14;
	_ =	sdelay $0x1  }
0x59: {  	v1 =	vmov s16  }
0x5a: {  	v2 =	vadd.s32 v1, v9  }
0x5b: {  	v3 =	vadd.s32 v1, v10;
	_ =	sdelay $0x3  }
0x5c: {  	v4 =	vld.idx.msk [tilespmem:v2+s3+$0x0], $0xffff  }
0x5d: {  	v3 =	vld.idx.msk [tilespmem:v3+s3+$0x0], $0xffff  }
0x5e: {  	s17 =	sor.u32 $0x180, s16  }
0x5f: {  	v2 =	vmov s17  }
0x60: {  	v5 =	vadd.s32 v2, v9  }
0x61: {  	v6 =	vadd.s32 v2, v10  }
0x62: {  	v3 =	vadd.f32 v3, v4;
	_ =	sdelay $0x1  }
0x63: {  	[tilespmem:s15+$0x16000] =	vst v3  }
0x64: {  	v4 =	vld.idx.msk [tilespmem:v5+s3+$0x0], $0xffff  }
0x65: {  	v5 =	vld.idx.msk [tilespmem:v6+s3+$0x0], $0xffff  }
0x66: {  	s17 =	sor.u32 $0x300, s16  }
0x67: {  	v3 =	vmov s17  }
0x68: {  	v6 =	vadd.s32 v3, v9  }
0x69: {  	v7 =	vadd.s32 v3, v10  }
0x6a: {  	v4 =	vadd.f32 v5, v4;
	_ =	sdelay $0x1  }
0x6b: {  	[tilespmem:s15+$0x16271] =	vst v4  }
0x6c: {  	v5 =	vld.idx.msk [tilespmem:v6+s3+$0x0], $0xffff  }
0x6d: {  	v6 =	vld.idx.msk [tilespmem:v7+s3+$0x0], $0xffff  }
0x6e: {  	s17 =	sadd.s32 $0x480, s16  }
0x6f: {  	v4 =	vmov s17  }
0x70: {  	v7 =	vadd.s32 v4, v9  }
0x71: {  	v8 =	vadd.s32 v4, v10  }
0x72: {  	v5 =	vadd.f32 v6, v5;
	_ =	sdelay $0x1  }
0x73: {  	[tilespmem:s15+$0x164E2] =	vst v5  }
0x74: {  	v6 =	vld.idx.msk [tilespmem:v7+s3+$0x0], $0xffff  }
0x75: {  	v7 =	vld.idx.msk [tilespmem:v8+s3+$0x0], $0xffff  }
0x76: {  	s17 =	sadd.s32 $0x600, s16  }
0x77: {  	v5 =	vmov s17  }
0x78: {  	v8 =	vadd.s32 v5, v9  }
0x79: {  	v11 =	vadd.s32 v5, v10  }
0x7a: {  	v6 =	vadd.f32 v7, v6;
	_ =	sdelay $0x1  }
0x7b: {  	[tilespmem:s15+$0x16753] =	vst v6  }
0x7c: {  	v7 =	vld.idx.msk [tilespmem:v8+s3+$0x0], $0xffff  }
0x7d: {  	v8 =	vld.idx.msk [tilespmem:v11+s3+$0x0], $0xffff  }
0x7e: {  	s17 =	sadd.s32 $0x780, s16  }
0x7f: {  	v6 =	vmov s17  }
0x80: {  	v11 =	vadd.s32 v6, v9  }
0x81: {  	v12 =	vadd.s32 v6, v10  }
0x82: {  	v7 =	vadd.f32 v8, v7;
	_ =	sdelay $0x1  }
0x83: {  	[tilespmem:s15+$0x169C4] =	vst v7  }
0x84: {  	v8 =	vld.idx.msk [tilespmem:v11+s3+$0x0], $0xffff  }
0x85: {  	v11 =	vld.idx.msk [tilespmem:v12+s3+$0x0], $0xffff  }
0x86: {  	s17 =	sadd.s32 $0x900, s16  }
0x87: {  	v7 =	vmov s17  }
0x88: {  	v62 =	vadd.s32 v7, v9  }
0x89: {  	v13 =	vadd.s32 v7, v10  }
0x8a: {  	v8 =	vadd.f32 v11, v8;
	_ =	sdelay $0x1  }
0x8b: {  	[tilespmem:s15+$0x16C35] =	vst v8  }
0x8c: {  	v11 =	vld.idx.msk [tilespmem:v62+s3+$0x0], $0xffff  }
0x8d: {  	v63 =	vld.idx.msk [tilespmem:v13+s3+$0x0], $0xffff  }
0x8e: {  	s16 =	sadd.s32 $0xA80, s16  }
0x8f: {  	v8 =	vmov s16  }
0x90: {  	v9 =	vadd.s32 v8, v9  }
0x91: {  	v10 =	vadd.s32 v8, v10  }
0x92: {  	v11 =	vadd.f32 v63, v11;
	_ =	sdelay $0x1  }
0x93: {  	[tilespmem:s15+$0x16EA6] =	vst v11  }
0x94: {  	s16 =	simm.s32 $0x40;
	v9 =	vld.idx.msk [tilespmem:v9+s3+$0x0], $0xffff  }
.LBB2_8:
0x95: {  	p0 =	sne.s32 s16, $0x980;
	v10 =	vld.idx.msk [tilespmem:v10+s3+$0x0], $0xffff;
	s17 =	smov.u32 s16;
	s16 =	sadd.s32 $0x40, s16  }
0x96: {  	_ =	sdelay $0x4  }
0x97: {  	v9 =	vadd.f32 v10, v9;
	_ =	sdelay $0x1  }
0x98: {  	[tilespmem:s15+$0x17117] =	vst v9;
	s15 =	sshra.s32 s17, $0x2  }
0x99: {  	v9 =	vld.idx.msk [tilespmem:v0+s15+$0xFFFFEC00 ss:$0x1], $0xffff  }
0x9a: {  	v10 =	vld.idx.msk [tilespmem:v0+s15+$0x0 ss:$0x1], $0xffff;
	_ =	sdelay $0x4  }
0x9b: {  	v11 =	vadd.s32 v1, v9  }
0x9c: {  	v12 =	vadd.s32 v1, v10;
	_ =	sdelay $0x3  }
0x9d: {  	v11 =	vld.idx.msk [tilespmem:v11+s3+$0x0], $0xffff  }
0x9e: {  	v12 =	vld.idx.msk [tilespmem:v12+s3+$0x0], $0xffff;
	_ =	sdelay $0x3  }
0x9f: {  	v13 =	vadd.s32 v2, v9;
	v14 =	vadd.s32 v2, v10;
	_ =	sdelay $0x1  }
0xa0: {  	v11 =	vadd.f32 v12, v11;
	_ =	sdelay $0x1  }
0xa1: {  	[tilespmem:s15+$0x16000] =	vst v11  }
0xa2: {  	v11 =	vld.idx.msk [tilespmem:v13+s3+$0x0], $0xffff  }
0xa3: {  	v12 =	vld.idx.msk [tilespmem:v14+s3+$0x0], $0xffff;
	_ =	sdelay $0x3  }
0xa4: {  	v13 =	vadd.s32 v3, v9;
	v14 =	vadd.s32 v3, v10;
	_ =	sdelay $0x1  }
0xa5: {  	v11 =	vadd.f32 v12, v11;
	_ =	sdelay $0x1  }
0xa6: {  	[tilespmem:s15+$0x16271] =	vst v11  }
0xa7: {  	v11 =	vld.idx.msk [tilespmem:v13+s3+$0x0], $0xffff  }
0xa8: {  	v12 =	vld.idx.msk [tilespmem:v14+s3+$0x0], $0xffff;
	_ =	sdelay $0x3  }
0xa9: {  	v13 =	vadd.s32 v4, v9;
	v14 =	vadd.s32 v4, v10;
	_ =	sdelay $0x1  }
0xaa: {  	v11 =	vadd.f32 v12, v11;
	_ =	sdelay $0x1  }
0xab: {  	[tilespmem:s15+$0x164E2] =	vst v11  }
0xac: {  	v11 =	vld.idx.msk [tilespmem:v13+s3+$0x0], $0xffff  }
0xad: {  	v12 =	vld.idx.msk [tilespmem:v14+s3+$0x0], $0xffff;
	_ =	sdelay $0x3  }
0xae: {  	v13 =	vadd.s32 v5, v9;
	v14 =	vadd.s32 v5, v10;
	_ =	sdelay $0x1  }
0xaf: {  	v11 =	vadd.f32 v12, v11;
	_ =	sdelay $0x1  }
0xb0: {  	[tilespmem:s15+$0x16753] =	vst v11  }
0xb1: {  	v11 =	vld.idx.msk [tilespmem:v13+s3+$0x0], $0xffff  }
0xb2: {  	v12 =	vld.idx.msk [tilespmem:v14+s3+$0x0], $0xffff;
	_ =	sdelay $0x3  }
0xb3: {  	v13 =	vadd.s32 v6, v9;
	v14 =	vadd.s32 v6, v10;
	_ =	sdelay $0x1  }
0xb4: {  	v11 =	vadd.f32 v12, v11;
	_ =	sdelay $0x1  }
0xb5: {  	[tilespmem:s15+$0x169C4] =	vst v11  }
0xb6: {  	v11 =	vld.idx.msk [tilespmem:v13+s3+$0x0], $0xffff  }
0xb7: {  	v12 =	vld.idx.msk [tilespmem:v14+s3+$0x0], $0xffff;
	_ =	sdelay $0x3  }
0xb8: {  	v13 =	vadd.s32 v7, v9;
	v14 =	vadd.s32 v7, v10;
	_ =	sdelay $0x1  }
0xb9: {  	v11 =	vadd.f32 v12, v11;
	_ =	sdelay $0x1  }
0xba: {  	[tilespmem:s15+$0x16C35] =	vst v11  }
0xbb: {  	v11 =	vld.idx.msk [tilespmem:v13+s3+$0x0], $0xffff  }
0xbc: {  	v12 =	vld.idx.msk [tilespmem:v14+s3+$0x0], $0xffff;
	_ =	sdelay $0x3  }
0xbd: {  	v9 =	vadd.s32 v8, v9;
	v10 =	vadd.s32 v8, v10  }
.Ltmp2:
0xbe: {  	(pc) =	sbr.rel @p0 .LBB2_8-.Ltmp2, $3  }
0xbf: {  	v11 =	vadd.f32 v12, v11;
	_ =	sdelay $0x1  }
0xc0: {  	[tilespmem:s15+$0x16EA6] =	vst v11  }
0xc1: {  	v9 =	vld.idx.msk [tilespmem:v9+s3+$0x0], $0xffff  }
0xc2: {  	_ =	sdelay $0x3  }
0xc3: {  	v10 =	vld.idx.msk [tilespmem:v10+s3+$0x0], $0xffff;
	_ =	sdelay $0x4  }
0xc4: {  	v9 =	vadd.f32 v10, v9;
	_ =	sdelay $0x1  }
0xc5: {  	[tilespmem:s15+$0x17117] =	vst v9  }
0xc6: {  	v9 =	vld [tilespmem:s1+$0x13A70]  }
0xc7: {  	v57 =	vld [tilespmem:s1+$0x14E70];
	_ =	sdelay $0x3  }
0xc8: {  	v11 =	vadd.s32 v1, v9  }
0xc9: {  	v1 =	vadd.s32 v1, v57;
	_ =	sdelay $0x3  }
0xca: {  	v11 =	vld.idx.msk [tilespmem:v11+s3+$0x0], $0xffff  }
0xcb: {  	v1 =	vld.idx.msk [tilespmem:v1+s3+$0x0], $0xffff;
	_ =	sdelay $0x2  }
0xcc: {  	v12 =	vadd.s32 v2, v9  }
0xcd: {  	v2 =	vadd.s32 v2, v57  }
0xce: {  	v1 =	vadd.f32 v1, v11;
	_ =	sdelay $0x1  }
0xcf: {  	[tilespmem:s19+$0x0] =	vst.msk $0x1, v1  }
0xd0: {  	v1 =	vld.idx.msk [tilespmem:v12+s3+$0x0], $0xffff  }
0xd1: {  	v2 =	vld.idx.msk [tilespmem:v2+s3+$0x0], $0xffff;
	_ =	sdelay $0x2  }
0xd2: {  	v58 =	vadd.s32 v3, v9  }
0xd3: {  	v3 =	vadd.s32 v3, v57  }
0xd4: {  	v1 =	vadd.f32 v2, v1;
	_ =	sdelay $0x1  }
0xd5: {  	[tilespmem:s20+$0x0] =	vst.msk $0x1, v1  }
0xd6: {  	v1 =	vld.idx.msk [tilespmem:v58+s3+$0x0], $0xffff  }
0xd7: {  	v2 =	vld.idx.msk [tilespmem:v3+s3+$0x0], $0xffff;
	_ =	sdelay $0x2  }
0xd8: {  	v3 =	vadd.s32 v4, v9  }
0xd9: {  	v59 =	vadd.s32 v4, v57  }
0xda: {  	v1 =	vadd.f32 v2, v1;
	_ =	sdelay $0x1  }
0xdb: {  	[tilespmem:s21+$0x0] =	vst.msk $0x1, v1  }
0xdc: {  	v1 =	vld.idx.msk [tilespmem:v3+s3+$0x0], $0xffff  }
0xdd: {  	v2 =	vld.idx.msk [tilespmem:v59+s3+$0x0], $0xffff;
	_ =	sdelay $0x2  }
0xde: {  	v3 =	vadd.s32 v5, v9  }
0xdf: {  	v60 =	vadd.s32 v5, v57  }
0xe0: {  	v1 =	vadd.f32 v2, v1;
	_ =	sdelay $0x1  }
0xe1: {  	[tilespmem:s22+$0x0] =	vst.msk $0x1, v1  }
0xe2: {  	v1 =	vld.idx.msk [tilespmem:v3+s3+$0x0], $0xffff  }
0xe3: {  	v2 =	vld.idx.msk [tilespmem:v60+s3+$0x0], $0xffff;
	_ =	sdelay $0x2  }
0xe4: {  	v3 =	vadd.s32 v6, v9  }
0xe5: {  	v61 =	vadd.s32 v6, v57  }
0xe6: {  	v1 =	vadd.f32 v2, v1;
	_ =	sdelay $0x1  }
0xe7: {  	[tilespmem:s23+$0x0] =	vst.msk $0x1, v1  }
0xe8: {  	v1 =	vld.idx.msk [tilespmem:v3+s3+$0x0], $0xffff  }
0xe9: {  	v2 =	vld.idx.msk [tilespmem:v61+s3+$0x0], $0xffff;
	_ =	sdelay $0x2  }
0xea: {  	v3 =	vadd.s32 v7, v9  }
0xeb: {  	v62 =	vadd.s32 v7, v57  }
0xec: {  	v1 =	vadd.f32 v2, v1;
	_ =	sdelay $0x1  }
0xed: {  	[tilespmem:s24+$0x0] =	vst.msk $0x1, v1  }
0xee: {  	v1 =	vld.idx.msk [tilespmem:v3+s3+$0x0], $0xffff  }
0xef: {  	v2 =	vld.idx.msk [tilespmem:v62+s3+$0x0], $0xffff;
	_ =	sdelay $0x2  }
0xf0: {  	v3 =	vadd.s32 v8, v9  }
0xf1: {  	v63 =	vadd.s32 v8, v57  }
0xf2: {  	v1 =	vadd.f32 v2, v1;
	_ =	sdelay $0x1  }
0xf3: {  	[tilespmem:s25+$0x0] =	vst.msk $0x1, v1  }
0xf4: {  	v1 =	vld.idx.msk [tilespmem:v3+s3+$0x0], $0xffff  }
0xf5: {  	v2 =	vld.idx.msk [tilespmem:v63+s3+$0x0], $0xffff;
	_ =	sdelay $0x2  }
0xf6: {  	s17 =	smul.u32 $0x1388, s14;
	_ =	sdelay $0x1  }
0xf7: {  	s14 =	sadd.s32 $0x1, s14;
	s15 =	sadd.s32 s0, s17;
	v1 =	vadd.f32 v2, v1  }
0xf8: {  	p0 =	sne.s32 s14, $0x10;
	s15 =	sshrl.u32 s15, $0x3  }
.Ltmp3:
0xf9: {  	s15 =	sadd.s32 s2, s15;
	[tilespmem:s26+$0x0] =	vst.msk $0x1, v1;
	(pc) =	sbr.rel @p0 .LBB2_7-.Ltmp3, $4  }
0xfa: {  	[hbm4b:s15+s3] =	stream.linear.scatter [tilespmem:s28], [sflag:$0x1], $0x1388, $0x38;
	[tilespmem:$0x173A0] =	vst v63  }
0xfb: {  	_ =	swait.ge [sflag:s13], $0x1388  }
0xfc: {  	[sflag:s13] =	ssyncset.done $0x0  }
0xfd: {  	[sflag:s13] =	ssyncadd.s32 $0xFFFFEC78  }
0xfe: {  	s30 =	sadd.s32 $0x1, s30  }
0xff: {  	p0 =	sne.s32 s30, $0x8  }
.Ltmp4:
0x100: {  	_ = 	snop;
	(pc) =	sbr.rel @p0 .LBB2_6-.Ltmp4, $2  }
0x101: {  	_ =	sdelay $0x2  }
0x102: {  	s31 =	sadd.s32 $0x280, s31  }
0x103: {  	s29 =	sadd.s32 $0x1, s29  }
0x104: {  	p0 =	sne.s32 s29, s12  }
.Ltmp5:
0x105: {  	_ = 	snop;
	(pc) =	sbr.rel @p0 .LBB2_1-.Ltmp5, $1  }
0x106: {  	_ =	sdelay $0x3  }
0x107: {  	_ =	sfence.sel $0x180000  }
0x108: {  	[bflag:$0x0] =	sbarrier.arrive $0xFFFF  }
0x109: {  	_ =	strace $0x90000047  }
0x10a: {  	s0 =	stileid.u32;
	[bflag:$0x2] =	sbarrier.arrive $0xFFFF  }
0x10b: {  	p0 =	sne.s32 s0, $0x0;
	s0 =	rddreg [dreg:$0x2]  }
0x10c: {  	s0 =	sadd.s32 @!p0 $0x100000, s0  }
0x10d: {  	[sflag:s0] =	ssyncadd.tile.s32 @!p0 $0x1;
	_ =	shalt  }
.Lfunc_end2:
_tile_overlayer_lowered:
.L_overlay_start_2:
0x10e: {  	(tag) =	ssettag $0x2  }
0x10f: {  	s0 =	rddreg [dreg:$0x0];
	s2 =	stileid.u32  }
0x110: {  	s1 =	rddreg [dreg:$0x1];
	p0 =	sne.s32 s2, $0x0  }
0x111: {  	s3 =	rddreg [dreg:$0x2];
	[bflag:$0x3] =	sbarrier.arrive $0xFFFF;
	s2 =	simm.s32 @!p0 $0x1C01  }
0x112: {  	[timem:s3], [sflag:s2] =	dma.local @!p0 [hbm:s0], s1  }
0x113: {  	s0 =	simm.s32 @!p0 $0x1  }
0x114: {  	_ =	swait.ge @!p0 [sflag:s0], s1  }
0x115: {  	s1 =	ssub.s32 @!p0 $0x0, s1;
	[sflag:s0] =	ssyncset.done @!p0 $0x0  }
0x116: {  	[sflag:s0] =	ssyncadd.s32 @!p0 s1  }
0x117: {  	[bflag:$0x3] =	sbarrier.arrive $0xFFFF  }
0x118: {  	_ =	shalt  }

// kernel: sparse-core-data-format-call.1.cloned.1.call-start
scs
called_computation.1_lowered:
.L_overlay_start_0:
0x0: {  	s2 =	sld [smem:$0x3FD9]  }
0x1: {  	s3 =	sld [smem:$0x3FFE];
	_ =	sdelay $0x1  }
0x2: {  	s1 =	srdreg.scid  }
0x3: {  	s0 =	sand.u32 $0x1, s1  }
0x4: {  	s18 =	sshll.u32 s0, $0xA;
	s2 =	sadd.s32 s3, s2  }
0x5: {  	s2 =	sadd.s32 s2, s18  }
0x6: {  	[smem:$0x3FBC] =	sst s2  }
0x7: {  	_ = 	snop  }
0x8: {  	s2 =	sld [smem:$0x3FD0];
	(tm) =	ssettm $0x1  }
0x9: {  	s19 =	sld [smem:$0x3FFB];
	_ =	sdelay $0x3  }
0xa: {  	_ =	strace s19  }
0xb: {  	s3 =	sld [smem:$0x3FFC];
	_ =	sdelay $0x3  }
0xc: {  	_ =	strace s3  }
0xd: {  	s3 =	sld [smem:$0x3FFD];
	_ =	sdelay $0x3  }
0xe: {  	_ =	strace s3  }
0xf: {  	_ =	strace $0x8FFFFFFF  }
0x10: {  	s20 =	sld [smem:$0x3FDB];
	_ =	sdelay $0x1  }
0x11: {  	s4 =	simm.s32 $_scs_section_size  }
0x12: {  	s5 =	simm.s32 $_size__tile_overlayer_lowered;
	s6 =	simm.s32 $_tile_overlayer_lowered  }
0x13: {  	s23 =	simm.s32 $0x1BFF;
	s22 =	sshll.u32 s6, $0x1;
	s3 =	sadd.s32 s4, s20  }
0x14: {  	s7 =	simm.s32 $0x0;
	s21 =	sshll.u32 s5, $0x1;
	s5 =	sadd.s32 s22, s3  }
0x15: {  	[timem:s7], [sflag:s23] =	dma.local [hbm:s5], s21  }
0x16: {  	_ =	swait.ge [sflag:s23], s21  }
0x17: {  	s4 =	ssub.s32 $0x0, s21;
	[sflag:s23] =	ssyncset.done $0x0  }
0x18: {  	[sflag:s23] =	ssyncadd.s32 s4;
	_ =	sdelay $0x1  }
0x19: {  	s24 =	simm.s32 $0x1B8B  }
0x1a: {  	_ =	swait.ge [sflag:s24], $0x1  }
0x1b: {  	[sflag:s24] =	ssyncset.done $0x0  }
0x1c: {  	s26 =	simm.s32 $0x1B8E;
	s25 =	sld [smem:$0x3FFE];
	[sflag:s24] =	ssyncadd.s32 $0xFFFFFFFF  }
0x1d: {  	s27 =	simm.s32 $execute0_lowered;
	[smem:$0x3FD2] =	sst s26  }
0x1e: {  	s5 =	sshll.u32 s27, $0x1;
	_ =	strace $0x80000049;
	[dreg:$0x1] =	wrdreg $0xFFFFFFFF  }
0x1f: {  	s28 =	simm.s32 $_size_execute0_lowered;
	s3 =	sadd.s32 s3, s5;
	[dreg:$0x0] =	wrdreg $0x0  }
0x20: {  	s5 =	sshll.u32 s28, $0x1;
	[dreg:$0x2] =	wrdreg s3  }
0x21: {  	[dreg:$0x3] =	wrdreg s5  }
0x22: {  	[dreg:$0x4] =	wrdreg $0xC0  }
0x23: {  	_ =	task [dreg:s7], $0x5FFFF  }
0x24: {  	[dreg:$0x1] =	wrdreg $0xFFFFFFFF  }
0x25: {  	[dreg:$0x0] =	wrdreg $0x60  }
0x26: {  	[dreg:$0x2] =	wrdreg s25  }
0x27: {  	[dreg:$0x3] =	wrdreg s2  }
0x28: {  	[dreg:$0x4] =	wrdreg $0x9  }
0x29: {  	_ =	task.clear_ibuf [dreg:s7], $0x5FFFF;
	_ =	strace $0x90000049  }
0x2a: {  	s29 =	simm.s32 $0x9;
	_ =	strace $0x8000004B  }
0x2b: {  	_ =	swait.ge [sflag:s29], $0x1  }
0x2c: {  	[sflag:s29] =	ssyncadd.s32 $0xFFFFFFFF  }
0x2d: {  	_ =	strace $0x9000004B  }
0x2e: {  	_ =	sfence  }
0x2f: {  	s30 =	sld [smem:$0x0];
	_ =	sdelay $0x2  }
0x30: {  	s31 =	sshll.u32 s1, $0xD;
	s1 =	sshrl.u32 s1, $0x2  }
0x31: {  	s3 =	sand.u32 $0x4000, s31;
	s1 =	sadd.s32 s1, s30  }
0x32: {  	s0 =	sor.u32 s3, s0;
	s1 =	sshll.u32 s1, $0x11  }
0x33: {  	s0 =	sor.u32 s1, s0  }
0x34: {  	s0 =	sadd.s32 $0x8F2B, s0  }
0x35: {  	[sflag:s0] =	ssyncadd.remote.s32 $0x1  }
0x36: {  	_ =	sfence.sel $0xFFFF  }
0x37: {  	[dreg:$0x0] =	wrdreg $0xFFFFFFFF;
	(pc) =	sbr.abs _section_cstart, $3  }
0x38: {  	[dreg:$0x1] =	wrdreg $0xFFFFFFFF  }
0x39: {  	_ =	task.clear_ibuf [dreg:s7], $0x2FFFF;
	_ =	strace $0x9FFFFFFF  }
0x3a: {  	(tm) =	ssettm $0x7FFFFFFF  }
0x3b: {  	_ =	shalt  }
tec
execute0_lowered:
.L_overlay_start_1:
0x0: {  	(tag) =	ssettag $0x1  }
0x1: {  	s0 =	stileid.u32;
	s4 =	rddreg [dreg:$0x0]  }
0x2: {  	s2 =	rddreg [dreg:$0x1];
	s6 =	srdreg.scid  }
0x3: {  	s31 =	simm.s32 $0x2;
	s17 =	simm.s32 $0x0;
	p0 =	por $0x0, $0x0  }
0x4: {  	s9 =	simm.s32 $0x800;
	s19 =	simm.s32 $0x0;
	s18 =	simm.s32 $0x0  }
0x5: {  	s10 =	simm.s32 $0x0;
	s11 =	simm.s32 $0x0;
	s1 =	sshll.u32 s0, $0x7  }
0x6: {  	s12 =	simm.s32 $0x0;
	s13 =	simm.s32 $0x0;
	s3 =	sand.u32 $0x80, s1  }
0x7: {  	s16 =	simm.s32 $0x0;
	s6 =	sshll.u32 s6, $0x4;
	s5 =	ssub.s32 $0x100, s3  }
0x8: {  	s4 =	sadd.s32 $0xC00, s4;
	s1 =	rddreg [dreg:$0x2];
	s7 =	sshrl.u32 s5, $0x7  }
.Ltmp0:
0x9: {  	s5 =	sshrl.u32 s5, $0x8;
	s7 =	sand.u32 $0x1, s7;
	(pc) =	sbr.rel .LBB1_1-.Ltmp0, $4  }
0xa: {  	_ =	strace $0x8000004A;
	s6 =	sand.u32 $0x10, s6;
	s7 =	sadd.s32 s5, s7  }
0xb: {  	s8 =	sor.u32 s0, s6;
	s5 =	simm.s32 $0x1;
	s6 =	smul.u32 $0x28, s7  }
0xc: {  	s15 =	smov.u32 s3;
	s7 =	sshrl.u32 s8, $0x1;
	[sflag:s5] =	ssyncpa.u1 $0x0  }
0xd: {  	[sflag:s31] =	ssyncpa.u1 $0x0;
	s14 =	smov.u32 s7;
	s8 =	sor.u32 $0x1, s6  }
.LBB1_4:
0xe: {  	s25 =	sshll.u32 s10, $0x8;
	s26 =	sshll.u32 s12, $0x3;
	s27 =	sshll.u32 s10, $0x7  }
0xf: {  	p1 =	sgt.s32 s11, $0xF;
	s28 =	smov.u32 s11;
	s24 =	sshra.s32 s24, $0x2  }
0x10: {  	p2 =	sgt.s32 s12, $0x80;
	s25 =	sand.u32 $0xFFFFF800, s25;
	s26 =	sand.u32 $0xFFFFFC00, s26  }
0x11: {  	s29 =	sand.u32 $0x300, s27;
	s28 =	simm.s32 @!p1 $0xF;
	s25 =	sadd.s32 s26, s25  }
0x12: {  	s23 =	sadd.s32 s24, s23;
	s25 =	sor.u32 s29, s25;
	s29 =	sshra.s32 s11, $0x1F  }
0x13: {  	s27 =	sand.u32 $0x80, s27;
	s25 =	sshrl.u32 s25, $0x8;
	s29 =	sand.u32 s29, s11  }
0x14: {  	s30 =	smulhi.u32 $0x1A36E3, s25;
	s26 =	ssub.s32 s28, s29;
	s29 =	smov.u32 s12  }
0x15: {  	s28 =	sadd.s32 $0xFFFFFFF1, s26;
	s29 =	simm.s32 @!p2 $0x80;
	p2 =	sgt.s32 s10, $0x1308  }
0x16: {  	v5 =	vld [tilespmem:s21+$0xFFFFFFD0];
	[tilespmem:s22+$0x2040 ss:$0x81] =	vst.msk $0xffff, v4;
	s26 =	ssub.s32 $0x10, s26;
	s24 =	sshrl.u32 s30, $0x1;
	s30 =	sshra.s32 s12, $0x1F  }
0x17: {  	v58 =	vld [tilespmem:s21+$0xFFFFFFE0];
	[tilespmem:s22+$0x2850 ss:$0x81] =	vst.msk $0xffff, v3;
	p1 =	sgt.s32 s28, $0x0;
	s31 =	sand.u32 s30, s12;
	s30 =	smov.u32 s10  }
0x18: {  	v59 =	vld [tilespmem:s21+$0xFFFFFFF0];
	[tilespmem:s22+$0x3060 ss:$0x81] =	vst.msk $0xffff, v2;
	s24 =	smul.u32 $0x1388, s24;
	s28 =	ssub.s32 s29, s31;
	s31 =	sshra.s32 s10, $0x1F  }
0x19: {  	[tilespmem:s22+$0x0 ss:$0x81] =	vst.msk $0xffff, v1;
	v60 =	vld [tilespmem:s21+$0x0];
	s26 =	simm.s32 @p1 $0x0;
	s30 =	simm.s32 @!p2 $0x1308;
	s29 =	sand.u32 s31, s10  }
0x1a: {  	v61 =	vld [tilespmem:s21+$0x10];
	[tilespmem:s23+$0x3870 ss:$0x81] =	vst.msk $0xffff, v0;
	s24 =	ssub.s32 s25, s24;
	s22 =	ssub.s32 s30, s29;
	s30 =	sadd.s32 $0xFFFFFF80, s28  }
0x1b: {  	v62 =	vld [tilespmem:s21+$0x20];
	[tilespmem:s23+$0x810 ss:$0x81] =	vst.msk $0xffff, v5;
	s28 =	ssub.s32 $0x100, s28;
	p1 =	sgt.s32 s30, $0x7F;
	s31 =	sadd.s32 $0xFFFFECF8, s22  }
0x1c: {  	v63 =	vld [tilespmem:s21+$0xFFFFFFC0];
	[tilespmem:s23+$0x1020 ss:$0x81] =	vst.msk $0xffff, v58;
	p2 =	sgt.s32 s31, $0x7F;
	s28 =	simm.s32 @p1 $0x0;
	s31 =	smul.u32 $0x27100, s11  }
0x1d: {  	[tilespmem:s23+$0x1830 ss:$0x81] =	vst.msk $0xffff, v59;
	s30 =	sand.u32 $0x78, s12;
	s22 =	ssub.s32 $0x1388, s22;
	s26 =	smul.u32 s28, s26  }
0x1e: {  	[tilespmem:s23+$0x2040 ss:$0x81] =	vst.msk $0xffff, v60;
	s29 =	sand.u32 $0x7, s12;
	s21 =	sor.u32 s30, s27;
	s22 =	simm.s32 @p2 $0x0  }
0x1f: {  	[tilespmem:s23+$0x2850 ss:$0x81] =	vst.msk $0xffff, v61;
	s21 =	sshrl.u32 s21, $0x3;
	s28 =	sadd.s32 s2, s31;
	s22 =	smul.u32 s22, s26  }
0x20: {  	[tilespmem:s23+$0x3060 ss:$0x81] =	vst.msk $0xffff, v62;
	s24 =	sshll.u32 s24, $0x5;
	s30 =	sshll.u32 s29, $0x12;
	s21 =	sadd.s32 s21, s28  }
0x21: {  	[tilespmem:s23+$0x0 ss:$0x81] =	vst.msk $0xffff, v63;
	s31 =	sor.u32 $0x400, s30;
	s21 =	sadd.s32 s24, s21;
	s22 =	sand.u32 $0x3FFFFFFF, s22  }
0x22: {  	[hbm4b:s21+s31] =	stream.strided.scatter [tilespmem:s20], [sflag:$0x2], s22, s9, s31, $0x20;
	[tilespmem:$0x10100] =	vst v63  }
.LBB1_5:
0x23: {  	p1 =	slt.u32 s16, $0x2  }
0x24: {  	p2 =	sgt.s32 @!p1 s19, $0xF  }
0x25: {  	s20 =	smov.u32 s19;
	s21 =	sshra.s32 @!p1 s19, $0x1F;
	p2 =	por !p2, p1  }
0x26: {  	s19 =	sand.u32 @!p1 s21, s19;
	s20 =	simm.s32 @p2 $0xF  }
0x27: {  	p3 =	sgt.s32 @!p1 s18, $0x80;
	s19 =	ssub.s32 @!p1 s20, s19  }
0x28: {  	p3 =	por !p3, p1;
	s21 =	sshra.s32 @!p1 s18, $0x1F;
	s20 =	sadd.s32 @!p1 $0xFFFFFFF1, s19  }
0x29: {  	s19 =	ssub.s32 @!p1 $0x10, s19;
	p2 =	sgt.s32 @!p1 s20, $0x0;
	s20 =	smov.u32 s18  }
0x2a: {  	s18 =	sand.u32 @!p1 s21, s18;
	s20 =	simm.s32 @p3 $0x80;
	p3 =	sgt.s32 @!p1 s17, $0x1308  }
0x2b: {  	s21 =	smov.u32 s17;
	p2 =	por !p2, p1;
	p3 =	por !p3, p1  }
0x2c: {  	s18 =	ssub.s32 @!p1 s20, s18;
	s20 =	sshra.s32 @!p1 s17, $0x1F;
	s19 =	simm.s32 @!p2 $0x0  }
0x2d: {  	s21 =	simm.s32 @p3 $0x1308;
	s17 =	sand.u32 @!p1 s20, s17;
	s20 =	sadd.s32 @!p1 $0xFFFFFF80, s18  }
0x2e: {  	s18 =	ssub.s32 @!p1 $0x100, s18;
	s17 =	ssub.s32 @!p1 s21, s17;
	p2 =	sgt.s32 @!p1 s20, $0x7F  }
0x2f: {  	s21 =	smov.u32 s14;
	s20 =	sadd.s32 @!p1 $0xFFFFECF8, s17;
	p2 =	por !p2, p1  }
0x30: {  	s17 =	ssub.s32 @!p1 $0x1388, s17;
	p3 =	sgt.s32 @!p1 s20, $0x7F;
	s18 =	simm.s32 @!p2 $0x0  }
0x31: {  	s20 =	sadd.s32 $0x80, s13;
	p2 =	por !p3, p1;
	s18 =	smul.u32 @!p1 s18, s19  }
0x32: {  	s19 =	sadd.s32 $0x10, s14;
	s17 =	simm.s32 @!p2 $0x0;
	p2 =	sgt.s32 s20, $0x1387  }
0x33: {  	s22 =	smov.u32 s15;
	s21 =	smov.u32 @p2 s19  }
0x34: {  	s17 =	smul.u32 @!p1 s17, s18;
	s18 =	sadd.s32 $0x100, s15;
	p3 =	sgt.s32 s21, $0xF  }
0x35: {  	p0 =	por !p0, !p0;
	s23 =	simm.s32 @!p1 $0x2;
	s22 =	smov.u32 @p3 s18  }
0x36: {  	s20 =	simm.s32 @p2 $0x0;
	s19 =	smov.u32 s11;
	p2 =	sgt.s32 s22, $0xFF  }
0x37: {  	s11 =	smov.u32 s14;
	s22 =	smov.u32 @p2 s3;
	p2 =	sne.s32 s16, s8  }
.Ltmp1:
0x38: {  	s17 =	sand.u32 @!p1 $0x3FFFFFFF, s17;
	s21 =	smov.u32 @p3 s7;
	(pc) =	sbr.rel @!p2 .LBB1_6-.Ltmp1, $4  }
0x39: {  	s18 =	smov.u32 s12;
	s12 =	smov.u32 s15;
	_ =	swait.ge @!p1 [sflag:s23], s17  }
0x3a: {  	s24 =	ssub.s32 @!p1 $0x0, s17;
	s17 =	smov.u32 s10;
	s10 =	smov.u32 s13  }
0x3b: {  	s13 =	smov.u32 s20;
	s14 =	smov.u32 s21;
	[sflag:s23] =	ssyncset.done @!p1 $0x0  }
0x3c: {  	s16 =	sadd.s32 $0x1, s16;
	[sflag:s23] =	ssyncadd.s32 @!p1 s24;
	s15 =	smov.u32 s22  }
.LBB1_1:
0x3d: {  	p1 =	sge.u32 s16, s6  }
0x3e: {  	s20 =	sshrl.u32 @!p1 s14, $0x3  }
0x3f: {  	s21 =	sshll.u32 @!p1 s13, $0x3;
	s22 =	sshll.u32 @!p1 s14, $0x7;
	s20 =	smul.u32 @!p1 $0xA000, s20  }
0x40: {  	s23 =	sand.u32 @!p1 $0x7F, s13;
	s21 =	sand.u32 @!p1 $0xFFFFFC00, s21;
	s22 =	sand.u32 @!p1 $0x380, s22  }
0x41: {  	s20 =	sadd.s32 @!p1 s20, s21;
	s21 =	sor.u32 @!p1 s23, s22  }
0x42: {  	s21 =	sor.u32 @!p1 s20, s21  }
0x43: {  	s22 =	smulhi.u32 @!p1 $0xCCCCCCCD, s21  }
0x44: {  	s20 =	smulhi.u32 @!p1 $0xCCCCCCCD, s20  }
0x45: {  	s22 =	sshrl.u32 @!p1 s22, $0xC  }
0x46: {  	s31 =	sadd.s32 $0xFFFFFFFF, s16;
	s20 =	sshrl.u32 @!p1 s20, $0xC;
	s22 =	smul.u32 @!p1 $0x1400, s22  }
0x47: {  	s24 =	smul.u32 @!p1 $0x2800, s15;
	s23 =	sxor.u32 @!p1 $0xFFFFFFFF, s16;
	s20 =	sand.u32 @!p1 $0xF, s20  }
0x48: {  	s23 =	sshll.u32 @!p1 s23, $0xE;
	s20 =	smul.u32 @!p1 $0x280, s20;
	s21 =	ssub.s32 @!p1 s21, s22  }
0x49: {  	s22 =	sand.u32 @!p1 $0x4000, s23;
	s23 =	sadd.s32 @!p1 s4, s24;
	s24 =	sand.u32 @!p1 $0x7, s21  }
0x4a: {  	s21 =	sshrl.u32 @!p1 s21, $0x3;
	s20 =	sadd.s32 @!p1 s20, s23;
	s23 =	sshll.u32 @!p1 s24, $0x12  }
0x4b: {  	s20 =	sadd.s32 @!p1 s21, s20;
	s21 =	sor.u32 @!p1 $0x80, s23;
	s23 =	simm.s32 @!p1 $0x14000  }
0x4c: {  	[tilespmem:s22], [sflag:$0x1] =	stream.strided.gather @!p1 [hbm4b:s20+s21], $0x4000, s23, s21, $0x38;
	[tilespmem:$0x10100] =	vst v63  }
0x4d: {  	p1 =	sge.u32 s31, s6  }
.Ltmp2:
0x4e: {  	_ = 	snop;
	(pc) =	sbr.rel @p1 .LBB1_5-.Ltmp2, $1  }
0x4f: {  	_ =	sdelay $0x3  }
0x50: {  	s20 =	simm.s32 $0x1  }
0x51: {  	_ =	swait.ge [sflag:s5], $0x4000;
	s20 =	simm.s32 @!p0 $0x0  }
0x52: {  	[sflag:s5] =	ssyncset.done $0x0;
	s21 =	sshll.u32 s20, $0xE  }
0x53: {  	[sflag:s5] =	ssyncadd.s32 $0xFFFFC000;
	s21 =	sor.u32 $0x40, s21  }
0x54: {  	s20 =	smul.u32 $0x10200, s20;
	v0 =	vld [tilespmem:s21+$0x30]  }
0x55: {  	v1 =	vld [tilespmem:s21+$0xFFFFFFD0]  }
0x56: {  	s20 =	sshrl.u32 s20, $0x2;
	v5 =	vld [tilespmem:s21+$0xFFFFFFE0]  }
0x57: {  	v6 =	vld [tilespmem:s21+$0xFFFFFFF0];
	s23 =	sor.u32 $0x8000, s20  }
0x58: {  	s31 =	sand.u32 $0x1, s16;
	v4 =	vld [tilespmem:s21+$0x0];
	s22 =	sadd.s32 $0x0, s23  }
0x59: {  	v3 =	vld [tilespmem:s21+$0x10];
	s20 =	smul.u32 $0x10200, s31;
	[tilespmem:s22+$0x3870 ss:$0x81] =	vst.msk $0xffff, v0  }
0x5a: {  	v2 =	vld [tilespmem:s21+$0x20];
	[tilespmem:s22+$0x810 ss:$0x81] =	vst.msk $0xffff, v1  }
0x5b: {  	s20 =	sshrl.u32 s20, $0x2;
	v1 =	vld [tilespmem:s21+$0xFFFFFFC0];
	[tilespmem:s22+$0x1020 ss:$0x81] =	vst.msk $0xffff, v5;
	s21 =	sadd.s32 $0x80, s21  }
0x5c: {  	s24 =	simm.s32 $0x4;
	s25 =	simm.s32 $0x8;
	s20 =	sor.u32 $0x8000, s20;
	[tilespmem:s22+$0x1830 ss:$0x81] =	vst.msk $0xffff, v6;
	v0 =	vld [tilespmem:s21+$0x30]  }
.LBB1_3:
0x5d: {  	p1 =	sne.s32 s25, $0x1FC;
	v5 =	vld [tilespmem:s21+$0xFFFFFFD0];
	[tilespmem:s22+$0x2040 ss:$0x81] =	vst.msk $0xffff, v4  }
0x5e: {  	v6 =	vld [tilespmem:s21+$0xFFFFFFE0];
	[tilespmem:s22+$0x2850 ss:$0x81] =	vst.msk $0xffff, v3  }
0x5f: {  	s26 =	sshra.s32 s24, $0x2;
	s24 =	smov.u32 s25;
	v7 =	vld [tilespmem:s21+$0xFFFFFFF0];
	[tilespmem:s22+$0x3060 ss:$0x81] =	vst.msk $0xffff, v2  }
.Ltmp3:
0x60: {  	v4 =	vld [tilespmem:s21+$0x0];
	[tilespmem:s22+$0x0 ss:$0x81] =	vst.msk $0xffff, v1;
	s22 =	sadd.s32 s26, s23;
	(pc) =	sbr.rel @p1 .LBB1_3-.Ltmp3, $4  }
0x61: {  	v3 =	vld [tilespmem:s21+$0x10];
	[tilespmem:s22+$0x3870 ss:$0x81] =	vst.msk $0xffff, v0  }
0x62: {  	[tilespmem:s22+$0x810 ss:$0x81] =	vst.msk $0xffff, v5;
	v2 =	vld [tilespmem:s21+$0x20]  }
0x63: {  	v1 =	vld [tilespmem:s21+$0xFFFFFFC0];
	[tilespmem:s22+$0x1020 ss:$0x81] =	vst.msk $0xffff, v6;
	s21 =	sadd.s32 $0x80, s21  }
0x64: {  	s25 =	sadd.s32 $0x4, s25;
	v0 =	vld [tilespmem:s21+$0x30];
	[tilespmem:s22+$0x1830 ss:$0x81] =	vst.msk $0xffff, v7  }
.Ltmp4:
0x65: {  	_ = 	snop;
	(pc) =	sbr.rel .LBB1_4-.Ltmp4, $1  }
0x66: {  	_ =	sdelay $0x3  }
.LBB1_6:
0x67: {  	_ =	sfence.sel $0x180000  }
0x68: {  	s2 =	simm.s32 $0x1;
	[bflag:$0x0] =	sbarrier.arrive $0xFFFF  }
0x69: {  	s31 =	simm.s32 $0x2;
	[sflag:s2] =	ssyncpa.u1 $0x1  }
0x6a: {  	[sflag:s31] =	ssyncpa.u1 $0x1  }
0x6b: {  	p0 =	sne.s32 s0, $0x0;
	_ =	strace $0x9000004A  }
0x6c: {  	s0 =	sadd.s32 @!p0 $0x100000, s1;
	[bflag:$0x2] =	sbarrier.arrive $0xFFFF  }
0x6d: {  	[sflag:s0] =	ssyncadd.tile.s32 @!p0 $0x1;
	_ =	shalt  }
.Lfunc_end1:
_tile_overlayer_lowered:
.L_overlay_start_2:
0x6e: {  	(tag) =	ssettag $0x2  }
0x6f: {  	s0 =	rddreg [dreg:$0x0];
	s2 =	stileid.u32  }
0x70: {  	s1 =	rddreg [dreg:$0x1];
	p0 =	sne.s32 s2, $0x0  }
0x71: {  	s3 =	rddreg [dreg:$0x2];
	[bflag:$0x3] =	sbarrier.arrive $0xFFFF;
	s2 =	simm.s32 @!p0 $0x1C01  }
0x72: {  	[timem:s3], [sflag:s2] =	dma.local @!p0 [hbm:s0], s1  }
0x73: {  	s0 =	simm.s32 @!p0 $0x1  }
0x74: {  	_ =	swait.ge @!p0 [sflag:s0], s1  }
0x75: {  	s1 =	ssub.s32 @!p0 $0x0, s1;
	[sflag:s0] =	ssyncset.done @!p0 $0x0  }
0x76: {  	[sflag:s0] =	ssyncadd.s32 @!p0 s1  }
0x77: {  	[bflag:$0x3] =	sbarrier.arrive $0xFFFF  }
0x78: {  	_ =	shalt  }

// kernel: sparse-core-data-format-call.cloned.1.call-start
scs
called_computation_lowered:
.L_overlay_start_0:
0x0: {  	s2 =	sld [smem:$0x3FD9]  }
0x1: {  	s3 =	sld [smem:$0x3FFE];
	_ =	sdelay $0x1  }
0x2: {  	s1 =	srdreg.scid  }
0x3: {  	s0 =	sand.u32 $0x1, s1  }
0x4: {  	s18 =	sshll.u32 s0, $0xA;
	s2 =	sadd.s32 s3, s2  }
0x5: {  	s2 =	sadd.s32 s2, s18  }
0x6: {  	[smem:$0x3FBC] =	sst s2  }
0x7: {  	_ = 	snop  }
0x8: {  	s2 =	sld [smem:$0x3FD0];
	(tm) =	ssettm $0x1  }
0x9: {  	s19 =	sld [smem:$0x3FFB];
	_ =	sdelay $0x3  }
0xa: {  	_ =	strace s19  }
0xb: {  	s3 =	sld [smem:$0x3FFC];
	_ =	sdelay $0x3  }
0xc: {  	_ =	strace s3  }
0xd: {  	s3 =	sld [smem:$0x3FFD];
	_ =	sdelay $0x3  }
0xe: {  	_ =	strace s3  }
0xf: {  	_ =	strace $0x8FFFFFFF  }
0x10: {  	s20 =	sld [smem:$0x3FDB];
	_ =	sdelay $0x1  }
0x11: {  	s4 =	simm.s32 $_scs_section_size  }
0x12: {  	s5 =	simm.s32 $_size__tile_overlayer_lowered;
	s6 =	simm.s32 $_tile_overlayer_lowered  }
0x13: {  	s23 =	simm.s32 $0x1BFF;
	s22 =	sshll.u32 s6, $0x1;
	s3 =	sadd.s32 s4, s20  }
0x14: {  	s7 =	simm.s32 $0x0;
	s21 =	sshll.u32 s5, $0x1;
	s5 =	sadd.s32 s22, s3  }
0x15: {  	[timem:s7], [sflag:s23] =	dma.local [hbm:s5], s21  }
0x16: {  	_ =	swait.ge [sflag:s23], s21  }
0x17: {  	s4 =	ssub.s32 $0x0, s21;
	[sflag:s23] =	ssyncset.done $0x0  }
0x18: {  	[sflag:s23] =	ssyncadd.s32 s4;
	_ =	sdelay $0x1  }
0x19: {  	s24 =	simm.s32 $0x1B8B  }
0x1a: {  	_ =	swait.ge [sflag:s24], $0x1  }
0x1b: {  	[sflag:s24] =	ssyncset.done $0x0  }
0x1c: {  	s26 =	simm.s32 $0x1B8E;
	s25 =	sld [smem:$0x3FFE];
	[sflag:s24] =	ssyncadd.s32 $0xFFFFFFFF  }
0x1d: {  	s27 =	simm.s32 $execute0_lowered;
	[smem:$0x3FD2] =	sst s26  }
0x1e: {  	s5 =	sshll.u32 s27, $0x1;
	_ =	strace $0x8000004C;
	[dreg:$0x1] =	wrdreg $0xFFFFFFFF  }
0x1f: {  	s28 =	simm.s32 $_size_execute0_lowered;
	s3 =	sadd.s32 s3, s5;
	[dreg:$0x0] =	wrdreg $0x0  }
0x20: {  	s5 =	sshll.u32 s28, $0x1;
	[dreg:$0x2] =	wrdreg s3  }
0x21: {  	[dreg:$0x3] =	wrdreg s5  }
0x22: {  	[dreg:$0x4] =	wrdreg $0xC0  }
0x23: {  	_ =	task [dreg:s7], $0x5FFFF  }
0x24: {  	[dreg:$0x1] =	wrdreg $0xFFFFFFFF  }
0x25: {  	[dreg:$0x0] =	wrdreg $0x60  }
0x26: {  	[dreg:$0x2] =	wrdreg s25  }
0x27: {  	[dreg:$0x3] =	wrdreg s2  }
0x28: {  	[dreg:$0x4] =	wrdreg $0x9  }
0x29: {  	_ =	task.clear_ibuf [dreg:s7], $0x5FFFF;
	_ =	strace $0x9000004C  }
0x2a: {  	s29 =	simm.s32 $0x9;
	_ =	strace $0x8000004E  }
0x2b: {  	_ =	swait.ge [sflag:s29], $0x1  }
0x2c: {  	[sflag:s29] =	ssyncadd.s32 $0xFFFFFFFF  }
0x2d: {  	_ =	strace $0x9000004E  }
0x2e: {  	_ =	sfence  }
0x2f: {  	s30 =	sld [smem:$0x0];
	_ =	sdelay $0x2  }
0x30: {  	s31 =	sshll.u32 s1, $0xD;
	s1 =	sshrl.u32 s1, $0x2  }
0x31: {  	s3 =	sand.u32 $0x4000, s31;
	s1 =	sadd.s32 s1, s30  }
0x32: {  	s0 =	sor.u32 s3, s0;
	s1 =	sshll.u32 s1, $0x11  }
0x33: {  	s0 =	sor.u32 s1, s0  }
0x34: {  	s0 =	sadd.s32 $0x8F2B, s0  }
0x35: {  	[sflag:s0] =	ssyncadd.remote.s32 $0x1  }
0x36: {  	_ =	sfence.sel $0xFFFF  }
0x37: {  	[dreg:$0x0] =	wrdreg $0xFFFFFFFF;
	(pc) =	sbr.abs _section_cstart, $3  }
0x38: {  	[dreg:$0x1] =	wrdreg $0xFFFFFFFF  }
0x39: {  	_ =	task.clear_ibuf [dreg:s7], $0x2FFFF;
	_ =	strace $0x9FFFFFFF  }
0x3a: {  	(tm) =	ssettm $0x7FFFFFFF  }
0x3b: {  	_ =	shalt  }
tec
execute0_lowered:
.L_overlay_start_1:
0x0: {  	(tag) =	ssettag $0x1  }
0x1: {  	s0 =	srdreg.scid  }
0x2: {  	s0 =	sshll.u32 s0, $0x7  }
0x3: {  	s6 =	rddreg [dreg:$0x0];
	s1 =	sand.u32 $0x80, s0  }
0x4: {  	s7 =	simm.s32 $0x2;
	s15 =	simm.s32 $0x0;
	s2 =	ssub.s32 $0x100, s1  }
0x5: {  	p0 =	por $0x0, $0x0;
	s0 =	stileid.u32;
	s3 =	sshrl.u32 s2, $0x7  }
0x6: {  	s4 =	ssub.s32 $0x28, s0;
	s2 =	sshrl.u32 s2, $0x8;
	s3 =	sand.u32 $0x1, s3  }
0x7: {  	s14 =	simm.s32 $0x0;
	s4 =	sshrl.u32 s4, $0x4;
	s2 =	sadd.s32 s2, s3  }
0x8: {  	s16 =	simm.s32 $0x0;
	s13 =	simm.s32 $0x0;
	s5 =	smul.u32 s2, s4  }
.Ltmp0:
0x9: {  	s9 =	simm.s32 $0x0;
	s3 =	rddreg [dreg:$0x1];
	(pc) =	sbr.rel .LBB1_1-.Ltmp0, $4  }
0xa: {  	s10 =	stileid.u32;
	s11 =	simm.s32 $0x0;
	s2 =	rddreg [dreg:$0x2]  }
0xb: {  	_ =	strace $0x8000004D;
	s4 =	simm.s32 $0x1;
	s5 =	smul.u32 $0x19, s5  }
0xc: {  	s12 =	simm.s32 $0x0;
	s6 =	sadd.s32 $0xC00, s6;
	[sflag:s4] =	ssyncpa.u1 $0x0  }
0xd: {  	[sflag:s7] =	ssyncpa.u1 $0x0;
	s7 =	sshll.u32 s1, $0x3;
	s8 =	sadd.s32 $0x1, s5  }
.LBB1_4:
0xe: {  	v5 =	vld [tilespmem:s20+$0xFFFFFFD0];
	[tilespmem:s19+$0x2040 ss:$0x81] =	vst.msk $0xffff, v1  }
0xf: {  	v58 =	vld [tilespmem:s20+$0xFFFFFFE0];
	[tilespmem:s19+$0x2850 ss:$0x81] =	vst.msk $0xffff, v2  }
0x10: {  	s21 =	sshra.s32 s21, $0x2;
	v59 =	vld [tilespmem:s20+$0xFFFFFFF0];
	[tilespmem:s19+$0x3060 ss:$0x81] =	vst.msk $0xffff, v3  }
0x11: {  	v60 =	vld [tilespmem:s20+$0x0];
	[tilespmem:s19+$0x0 ss:$0x81] =	vst.msk $0xffff, v0;
	s18 =	sadd.s32 s21, s18  }
0x12: {  	v61 =	vld [tilespmem:s20+$0x10];
	[tilespmem:s18+$0x3870 ss:$0x81] =	vst.msk $0xffff, v4  }
0x13: {  	v62 =	vld [tilespmem:s20+$0x20];
	[tilespmem:s18+$0x810 ss:$0x81] =	vst.msk $0xffff, v5  }
0x14: {  	v63 =	vld [tilespmem:s20+$0xFFFFFFC0];
	s16 =	smul.u32 $0x19000, s16;
	[tilespmem:s18+$0x1020 ss:$0x81] =	vst.msk $0xffff, v58  }
0x15: {  	s15 =	sshll.u32 s15, $0x4;
	s29 =	sshrl.u32 s13, $0x3;
	[tilespmem:s18+$0x1830 ss:$0x81] =	vst.msk $0xffff, v59  }
0x16: {  	s30 =	sand.u32 $0xF80, s13;
	s19 =	sand.u32 $0xF, s29;
	s16 =	sadd.s32 s3, s16;
	[tilespmem:s18+$0x2040 ss:$0x81] =	vst.msk $0xffff, v60  }
0x17: {  	s14 =	sshll.u32 s14, $0xC;
	s15 =	sadd.s32 s30, s15;
	s16 =	sadd.s32 s19, s16;
	[tilespmem:s18+$0x2850 ss:$0x81] =	vst.msk $0xffff, v61  }
0x18: {  	s15 =	sand.u32 $0xF80, s15;
	s14 =	sadd.s32 s14, s16;
	[tilespmem:s18+$0x3060 ss:$0x81] =	vst.msk $0xffff, v62  }
0x19: {  	s31 =	sand.u32 $0x7, s13;
	[tilespmem:s18+$0x0 ss:$0x81] =	vst.msk $0xffff, v63;
	s14 =	sadd.s32 s15, s14  }
0x1a: {  	[hbm4b:s14+s31] =	stream.linear.scatter [tilespmem:s17], [sflag:$0x2], $0x4000, $0x20;
	[tilespmem:$0x10100] =	vst v63  }
.LBB1_5:
0x1b: {  	s17 =	sadd.s32 $0x1, s9  }
0x1c: {  	s13 =	sadd.s32 $0x10, s10;
	s18 =	smov.u32 s10;
	p2 =	sgt.s32 s17, $0x18  }
0x1d: {  	s18 =	smov.u32 @p2 s13  }
0x1e: {  	s19 =	smov.u32 s11;
	s13 =	sadd.s32 $0x80, s11;
	p3 =	sgt.s32 s18, $0x18  }
0x1f: {  	s19 =	smov.u32 @p3 s13  }
0x20: {  	s17 =	simm.s32 @p2 $0x0;
	p2 =	sgt.s32 s19, $0x7F  }
0x21: {  	p1 =	slt.u32 s12, $0x2;
	s19 =	simm.s32 @p2 $0x0;
	p2 =	sne.s32 s12, s8  }
.Ltmp1:
0x22: {  	s14 =	smov.u32 s9;
	s15 =	simm.s32 @!p1 $0x2;
	(pc) =	sbr.rel @!p2 .LBB1_6-.Ltmp1, $4  }
0x23: {  	s16 =	smov.u32 s10;
	p0 =	por !p0, !p0;
	_ =	swait.ge @!p1 [sflag:s15], $0x4000  }
0x24: {  	[sflag:s15] =	ssyncset.done @!p1 $0x0;
	s9 =	smov.u32 s17;
	s18 =	smov.u32 @p3 s0  }
0x25: {  	s13 =	smov.u32 s11;
	[sflag:s15] =	ssyncadd.s32 @!p1 $0xFFFFC000;
	s15 =	smov.u32 s1  }
0x26: {  	s10 =	smov.u32 s18;
	s12 =	sadd.s32 $0x1, s12;
	s11 =	smov.u32 s19  }
.LBB1_1:
0x27: {  	p1 =	sge.u32 s12, s5  }
0x28: {  	s31 =	sadd.s32 $0xFFFFFFFF, s12;
	s17 =	sshll.u32 @!p1 s9, $0x8;
	s18 =	sshll.u32 @!p1 s9, $0x7  }
0x29: {  	s19 =	smul.u32 @!p1 $0x6400, s11;
	s20 =	sxor.u32 @!p1 $0xFFFFFFFF, s12;
	s17 =	sand.u32 @!p1 $0x1800, s17  }
0x2a: {  	s21 =	sshll.u32 @!p1 s9, $0x4;
	s18 =	sand.u32 @!p1 $0x300, s18;
	s17 =	sor.u32 @!p1 s7, s17  }
0x2b: {  	s19 =	sadd.s32 @!p1 s6, s19;
	s17 =	sor.u32 @!p1 s18, s17;
	s18 =	sshll.u32 @!p1 s10, $0xA  }
0x2c: {  	s20 =	sshll.u32 @!p1 s20, $0xE;
	s21 =	sand.u32 @!p1 $0x10, s21;
	s18 =	sadd.s32 @!p1 s18, s19  }
0x2d: {  	s19 =	sand.u32 @!p1 $0x4000, s20;
	s17 =	sshrl.u32 @!p1 s17, $0x3;
	s18 =	sadd.s32 @!p1 s21, s18  }
0x2e: {  	s20 =	simm.s32 @!p1 $0x32000;
	s17 =	sadd.s32 @!p1 s17, s18;
	s18 =	simm.s32 @!p1 $0x80  }
0x2f: {  	[tilespmem:s19], [sflag:$0x1] =	stream.strided.gather @!p1 [hbm4b:s17+s18], $0x4000, s20, s18, $0x38;
	[tilespmem:$0x10100] =	vst v63  }
0x30: {  	p1 =	sge.u32 s31, s5  }
.Ltmp2:
0x31: {  	_ = 	snop;
	(pc) =	sbr.rel @p1 .LBB1_5-.Ltmp2, $1  }
0x32: {  	_ =	sdelay $0x3  }
0x33: {  	s17 =	simm.s32 $0x1  }
0x34: {  	_ =	swait.ge [sflag:s4], $0x4000;
	s17 =	simm.s32 @!p0 $0x0  }
0x35: {  	[sflag:s4] =	ssyncset.done $0x0;
	s18 =	sshll.u32 s17, $0xE  }
0x36: {  	[sflag:s4] =	ssyncadd.s32 $0xFFFFC000;
	s20 =	sor.u32 $0x40, s18  }
0x37: {  	s17 =	smul.u32 $0x10200, s17;
	v0 =	vld [tilespmem:s20+$0x30]  }
0x38: {  	v3 =	vld [tilespmem:s20+$0xFFFFFFD0]  }
0x39: {  	s17 =	sshrl.u32 s17, $0x2;
	v4 =	vld [tilespmem:s20+$0xFFFFFFE0]  }
0x3a: {  	v5 =	vld [tilespmem:s20+$0xFFFFFFF0];
	s18 =	sor.u32 $0x8000, s17  }
0x3b: {  	s31 =	sand.u32 $0x1, s12;
	v1 =	vld [tilespmem:s20+$0x0];
	s19 =	sadd.s32 $0x0, s18  }
0x3c: {  	v2 =	vld [tilespmem:s20+$0x10];
	s17 =	smul.u32 $0x10200, s31;
	[tilespmem:s19+$0x3870 ss:$0x81] =	vst.msk $0xffff, v0  }
0x3d: {  	[tilespmem:s19+$0x810 ss:$0x81] =	vst.msk $0xffff, v3;
	v3 =	vld [tilespmem:s20+$0x20]  }
0x3e: {  	s17 =	sshrl.u32 s17, $0x2;
	v0 =	vld [tilespmem:s20+$0xFFFFFFC0];
	[tilespmem:s19+$0x1020 ss:$0x81] =	vst.msk $0xffff, v4;
	s20 =	sadd.s32 $0x80, s20  }
0x3f: {  	s21 =	simm.s32 $0x4;
	s22 =	simm.s32 $0x8;
	s17 =	sor.u32 $0x8000, s17;
	[tilespmem:s19+$0x1830 ss:$0x81] =	vst.msk $0xffff, v5;
	v4 =	vld [tilespmem:s20+$0x30]  }
.LBB1_3:
0x40: {  	p1 =	sne.s32 s22, $0x1FC;
	v5 =	vld [tilespmem:s20+$0xFFFFFFD0];
	[tilespmem:s19+$0x2040 ss:$0x81] =	vst.msk $0xffff, v1  }
0x41: {  	v6 =	vld [tilespmem:s20+$0xFFFFFFE0];
	[tilespmem:s19+$0x2850 ss:$0x81] =	vst.msk $0xffff, v2  }
0x42: {  	s23 =	sshra.s32 s21, $0x2;
	s21 =	smov.u32 s22;
	v7 =	vld [tilespmem:s20+$0xFFFFFFF0];
	[tilespmem:s19+$0x3060 ss:$0x81] =	vst.msk $0xffff, v3  }
.Ltmp3:
0x43: {  	v1 =	vld [tilespmem:s20+$0x0];
	[tilespmem:s19+$0x0 ss:$0x81] =	vst.msk $0xffff, v0;
	s19 =	sadd.s32 s23, s18;
	(pc) =	sbr.rel @p1 .LBB1_3-.Ltmp3, $4  }
0x44: {  	v2 =	vld [tilespmem:s20+$0x10];
	[tilespmem:s19+$0x3870 ss:$0x81] =	vst.msk $0xffff, v4  }
0x45: {  	[tilespmem:s19+$0x810 ss:$0x81] =	vst.msk $0xffff, v5;
	v3 =	vld [tilespmem:s20+$0x20]  }
0x46: {  	v0 =	vld [tilespmem:s20+$0xFFFFFFC0];
	[tilespmem:s19+$0x1020 ss:$0x81] =	vst.msk $0xffff, v6;
	s20 =	sadd.s32 $0x80, s20  }
0x47: {  	s22 =	sadd.s32 $0x4, s22;
	v4 =	vld [tilespmem:s20+$0x30];
	[tilespmem:s19+$0x1830 ss:$0x81] =	vst.msk $0xffff, v7  }
.Ltmp4:
0x48: {  	_ = 	snop;
	(pc) =	sbr.rel .LBB1_4-.Ltmp4, $1  }
0x49: {  	_ =	sdelay $0x3  }
.LBB1_6:
0x4a: {  	_ =	sfence.sel $0x180000  }
0x4b: {  	s1 =	simm.s32 $0x1;
	[bflag:$0x0] =	sbarrier.arrive $0xFFFF  }
0x4c: {  	s31 =	simm.s32 $0x2;
	[sflag:s1] =	ssyncpa.u1 $0x1  }
0x4d: {  	[sflag:s31] =	ssyncpa.u1 $0x1  }
0x4e: {  	p0 =	sne.s32 s0, $0x0;
	_ =	strace $0x9000004D  }
0x4f: {  	s0 =	sadd.s32 @!p0 $0x100000, s2;
	[bflag:$0x2] =	sbarrier.arrive $0xFFFF  }
0x50: {  	[sflag:s0] =	ssyncadd.tile.s32 @!p0 $0x1;
	_ =	shalt  }
.Lfunc_end1:
_tile_overlayer_lowered:
.L_overlay_start_2:
0x51: {  	(tag) =	ssettag $0x2  }
0x52: {  	s0 =	rddreg [dreg:$0x0];
	s2 =	stileid.u32  }
0x53: {  	s1 =	rddreg [dreg:$0x1];
	p0 =	sne.s32 s2, $0x0  }
0x54: {  	s3 =	rddreg [dreg:$0x2];
	[bflag:$0x3] =	sbarrier.arrive $0xFFFF;
	s2 =	simm.s32 @!p0 $0x1C01  }
0x55: {  	[timem:s3], [sflag:s2] =	dma.local @!p0 [hbm:s0], s1  }
0x56: {  	s0 =	simm.s32 @!p0 $0x1  }
0x57: {  	_ =	swait.ge @!p0 [sflag:s0], s1  }
0x58: {  	s1 =	ssub.s32 @!p0 $0x0, s1;
	[sflag:s0] =	ssyncset.done @!p0 $0x0  }
0x59: {  	[sflag:s0] =	ssyncadd.s32 @!p0 s1  }
0x5a: {  	[bflag:$0x3] =	sbarrier.arrive $0xFFFF  }
0x5b: {  	_ =	shalt  }

</sc_bundles>
